<compile_context>
chip_gen: v7x
topology: tpu7x:2x2x1
jax: 0.10.2.dev20260603
libtpu: 0.0.44.dev20260713+nightly
codegen_flags: <defaults>
</compile_context>

<pallas_src>
import functools

import jax
import jax.numpy as jnp
from jax import lax
from jax.experimental import pallas as pl
from jax.experimental.pallas import tpu as pltpu
from jax.experimental.pallas import tpu_sc as plsc

_N = 2048
_D = 768
_NB = 8
_BLK = 256
_AUG = 128
_DA = _D + _AUG
_EPS = 1e-5
_IND4 = 1.0 / (_D ** 0.25)
_D4 = _D ** 0.25
_SHIFT = 64.0 + 1.0 + 28.0
_MU = 28.0
_NW = 32
_RPW = _N // _NW


def _prep_body(x_ref, mask_ref, rot_ref, xa_ref, rank_ref, offs_ref):
    x = x_ref[...]
    mu = jnp.mean(x, axis=1, keepdims=True)
    var = jnp.mean((x - mu) ** 2, axis=1, keepdims=True)
    xn = (x - mu) * lax.rsqrt(var + _EPS)
    xm = xn * mask_ref[...]
    s4 = jnp.dot(xn, rot_ref[...], preferred_element_type=jnp.float32)
    s = jnp.concatenate([s4, -s4], axis=1)
    smax = jnp.max(s, axis=1, keepdims=True)
    idx8 = lax.broadcasted_iota(jnp.int32, s.shape, 1)
    cand = jnp.where(s == smax, idx8, _NB)
    first = jnp.min(cand, axis=1, keepdims=True)
    oh = (idx8 == first).astype(jnp.float32)
    idx128 = lax.broadcasted_iota(jnp.int32, (_N, _AUG), 1)
    aug = (jnp.where(idx128 == first, 8.0, 0.0)
           + jnp.where(idx128 == _NB, 1.0, 0.0))
    xa_ref[...] = jnp.concatenate([xm * _IND4, aug], axis=1)

    ir = lax.broadcasted_iota(jnp.int32, (_N, _N), 0)
    ic = lax.broadcasted_iota(jnp.int32, (_N, _N), 1)
    ltri = (ic < ir).astype(jnp.bfloat16)
    prefix = jnp.dot(ltri, oh.astype(jnp.bfloat16),
                     preferred_element_type=jnp.float32)
    cnt = jnp.sum(oh, axis=0, keepdims=True)
    br = lax.broadcasted_iota(jnp.int32, (_NB, _NB), 0)
    bc = lax.broadcasted_iota(jnp.int32, (_NB, _NB), 1)
    ut = (br < bc).astype(jnp.float32)
    offs = jnp.dot(cnt, ut, preferred_element_type=jnp.float32)
    rank = jnp.sum(oh * (prefix + offs), axis=1, keepdims=True)
    rank_ref[...] = rank.astype(jnp.int32)[:, 0]
    offs_ref[...] = jnp.concatenate(
        [offs, jnp.full((1, _NB), float(_N), jnp.float32)],
        axis=1).astype(jnp.int32)


def _sc_scatter_body(xa_hbm, rank_hbm, xs_hbm, idx_v, rows_v, sem):
    wid = lax.axis_index("s") * 2 + lax.axis_index("c")
    base = wid * _RPW
    pltpu.sync_copy(rank_hbm.at[pl.ds(base, _RPW)], idx_v)
    pltpu.sync_copy(xa_hbm.at[pl.ds(base, _RPW)], rows_v)
    pltpu.async_copy(rows_v, xs_hbm.at[idx_v], sem).wait()


def _sc_unsort_body(osort_hbm, rank_hbm, out_hbm, idx_v, rows_v, sem):
    wid = lax.axis_index("s") * 2 + lax.axis_index("c")
    base = wid * _RPW
    pltpu.sync_copy(rank_hbm.at[pl.ds(base, _RPW)], idx_v)
    pltpu.async_copy(osort_hbm.at[idx_v], rows_v, sem).wait()
    pltpu.sync_copy(rows_v, out_hbm.at[pl.ds(base, _RPW)])


def _attn_body(offs_ref, xs_ref, out_ref, xb_s):
    i = pl.program_id(0)

    @pl.when(i == 0)
    def _cvt():
        xb_s[...] = xs_ref[...].astype(jnp.bfloat16)

    @pl.when(i > 0)
    def _attn():
        r0 = (i - 1) * _BLK
        start = jnp.int32(0)
        for c in range(1, _NB):
            oc = offs_ref[c]
            start = jnp.where(oc <= r0, oc, start)
        end = jnp.int32(_N)
        for c in range(_NB - 1, 0, -1):
            oc = offs_ref[c]
            end = jnp.where(oc > r0 + _BLK - 1, oc, end)
        jlo = start // _BLK
        jhi = (end + _BLK - 1) // _BLK

        qa = xb_s[pl.ds(r0, _BLK), :]

        def col_step(j, acc):
            ka = xb_s[pl.ds(j * _BLK, _BLK), :]
            s = lax.dot_general(qa, ka, (((1,), (1,)), ((), ())),
                                preferred_element_type=jnp.float32)
            p = jnp.exp(s - _SHIFT)
            return acc + lax.dot_general(p.astype(jnp.bfloat16), ka,
                                         (((1,), (0,)), ((), ())),
                                         preferred_element_type=jnp.float32)

        acc = lax.fori_loop(jlo, jhi, col_step,
                            jnp.zeros((_BLK, _DA), jnp.float32))
        l = acc[:, _D + _NB:_D + _NB + 1]
        riota = lax.broadcasted_iota(jnp.int32, (_BLK, 1), 0) + r0
        b = jnp.zeros((_BLK, 1), jnp.int32)
        for c in range(1, _NB):
            b = b + jnp.where(offs_ref[c] <= riota, 1, 0)
        cnt = jnp.zeros((_BLK, 1), jnp.int32)
        for c in range(_NB):
            sz = (jnp.int32(_N) if c == _NB - 1 else offs_ref[c + 1]) - offs_ref[c]
            cnt = jnp.where(b == c, sz, cnt)
        den = l + (_N - cnt).astype(jnp.float32) * jnp.exp(-_MU)
        out_ref[...] = acc[:, :_D] * (_D4 / den)


@jax.jit
def kernel(x, input_mask, rotations):
    x2 = x[0]
    mask2 = input_mask[0][:, None]
    rot = rotations[0, :, -1, :]

    xa, rank, offs2d = pl.pallas_call(
        _prep_body,
        out_shape=(
            jax.ShapeDtypeStruct((_N, _DA), jnp.float32),
            jax.ShapeDtypeStruct((_N,), jnp.int32),
            jax.ShapeDtypeStruct((1, 16), jnp.int32),
        ),
    )(x2, mask2, rot)
    offs = offs2d.reshape(16)

    mesh = plsc.VectorSubcoreMesh(core_axis_name="c", subcore_axis_name="s")
    scatter = functools.partial(
        pl.kernel,
        mesh=mesh,
        out_type=jax.ShapeDtypeStruct((_N, _DA), jnp.float32),
        scratch_types=[
            pltpu.VMEM((_RPW,), jnp.int32),
            pltpu.VMEM((_RPW, _DA), jnp.float32),
            pltpu.SemaphoreType.DMA,
        ],
    )(_sc_scatter_body)
    xs = scatter(xa, rank)

    out_sorted = pl.pallas_call(
        _attn_body,
        grid_spec=pltpu.PrefetchScalarGridSpec(
            num_scalar_prefetch=1,
            grid=(_N // _BLK + 1,),
            in_specs=[pl.BlockSpec((_N, _DA), lambda i, o: (0, 0))],
            out_specs=pl.BlockSpec(
                (_BLK, _D), lambda i, o: (jnp.maximum(i - 1, 0), 0)),
            scratch_shapes=[pltpu.VMEM((_N, _DA), jnp.bfloat16)],
        ),
        out_shape=jax.ShapeDtypeStruct((_N, _D), jnp.float32),
    )(offs, xs)

    unsort = functools.partial(
        pl.kernel,
        mesh=mesh,
        out_type=jax.ShapeDtypeStruct((_N, _D), jnp.float32),
        scratch_types=[
            pltpu.VMEM((_RPW,), jnp.int32),
            pltpu.VMEM((_RPW, _D), jnp.float32),
            pltpu.SemaphoreType.DMA,
        ],
    )(_sc_unsort_body)
    out = unsort(out_sorted, rank)

    return out[None]

# --- scband reference (transcript-rebuilt; emitter-appended) ---
"""Pipeline reference for scband-local-lshattention-59167469470173 (READ-ONLY COPY).

The authoritative reference and input builder live on the scoring server;
editing this copy changes nothing except your own understanding.
"""

import jax, jax.numpy as jnp
import numpy as np

BUCKET_SIZE = 256
N_HASHES = 8

def setup_inputs(seed: int = 0) -> dict:
    key = jax.random.key(seed)
    k1, k2 = jax.random.split(key)
    b, n, d = 1, 2048, 768
    num_buckets = n // BUCKET_SIZE
    x = jax.random.normal(k1, (b, n, d), dtype=jnp.float32)
    input_mask = jnp.ones((b, n), dtype=jnp.float32)
    # torch forward draws torch.randn rotations per call; we materialize them as a
    # deterministic input (random_rotations_per_head=True -> leading batch dim)
    rotations = jax.random.normal(k2, (b, d, N_HASHES, num_buckets // 2), dtype=jnp.float32)
    return {"x": x, "input_mask": input_mask, "rotations": rotations}

def _layer_norm(x, eps=1e-5):
    mu = jnp.mean(x, axis=-1, keepdims=True)
    var = jnp.var(x, axis=-1, keepdims=True)
    return (x - mu) / jnp.sqrt(var + eps)

def reference(x, input_mask, rotations):
    b, n, d = x.shape
    num_buckets = n // BUCKET_SIZE  # seq_len % bucket_size == 0 asserted in torch
    # F.layer_norm(x, [dim]) with no affine params
    xn = _layer_norm(x)
    # hash_vectors: rotate, mirror-concat, argmax over bucket axis -> (b, n_hashes, n)
    rv = jnp.einsum('bnd,bdhk->bhnk', xn, rotations)
    rv = jnp.concatenate([rv, -rv], axis=-1)
    buckets = jnp.argmax(rv, axis=-1)
    # input_mask applied multiplicatively
    xm = xn * input_mask[..., None]
    # casual=False -> no causal masking branch
    # torch loop `for hash_idx in range(n_hashes)` just leaves the LAST hash round
    round_buckets = buckets[:, N_HASHES - 1, :]  # (b, n)
    output = jnp.zeros_like(xm)
    for bucket_id in range(num_buckets):
        bmask = (round_buckets == bucket_id).astype(xm.dtype)  # (b, n)
        curr = xm * bmask[..., None]
        logits = jnp.einsum('bnd,bmd->bnm', curr, curr) / (d ** 0.5)
        aw = jax.nn.softmax(logits, axis=-1)  # dropout p=0 -> identity
        bout = jnp.einsum('bnm,bmd->bnd', aw, curr)
        output = output + bout * bmask[..., None]
    return output

if __name__ == "__main__":
    import jax
    _d = setup_inputs()
    print(jax.jit(kernel)(*tuple(_d.values())))

</pallas_src>

<mosaic_0001>
#map = affine_map<(d0, d1) -> (0, 0)>
#map1 = affine_map<(d0, d1) -> (0)>
module attributes {stable_mosaic.version = 14 : i64} {
  func.func @_sc_scatter_body(%arg0: i32, %arg1: i32, %arg2: memref<2048x896xf32, #tpu.memory_space<hbm>>, %arg3: memref<2048xi32, #tpu.memory_space<hbm>>, %arg4: memref<2048x896xf32, #tpu.memory_space<hbm>>, %arg5: memref<64xi32, #tpu.memory_space<vmem>>, %arg6: memref<64x896xf32, #tpu.memory_space<vmem>>, %arg7: memref<!tpu.dma_semaphore, #tpu.memory_space<semaphore_mem>>) attributes {dimension_semantics = [#tpu.dimension_semantics<core_parallel>, #tpu.dimension_semantics<subcore_parallel>], iteration_bounds = array<i64: 2, 16>, scalar_prefetch = 0 : i64, scratch_operands = 3 : i64, tpu.core_type = #tpu.core_type<sc_vector_subcore>, window_params = [{transform_indices = #map}, {transform_indices = #map1}, {transform_indices = #map}]} {
    %mul3A = arith.constant 2 : i32
    %mul3A_0 = arith.muli %arg1, %mul3A : i32
    %add3A = arith.addi %mul3A_0, %arg0 : i32
    %mul3A_1 = arith.constant 64 : i32
    %mul3A_2 = arith.muli %add3A, %mul3A_1 : i32
    "tpu.region"() ({
      %run_scoped3A = tpu.sem_alloc : memref<!tpu.dma_semaphore, #tpu.memory_space<semaphore_mem>>
      %dma_start3A_7 = tpu.memref_slice %arg3[%mul3A_2] : memref<2048xi32, #tpu.memory_space<hbm>> -> memref<64xi32, #tpu.memory_space<hbm>>
      %dma_start3A_8 = tpu.memref_slice %arg3[%mul3A_2] : memref<2048xi32, #tpu.memory_space<hbm>> -> memref<64xi32, #tpu.memory_space<hbm>>
      tpu.enqueue_dma source(%dma_start3A_8 : memref<64xi32, #tpu.memory_space<hbm>>) target(%arg5 : memref<64xi32, #tpu.memory_space<vmem>>) target_semaphore(%run_scoped3A : memref<!tpu.dma_semaphore, #tpu.memory_space<semaphore_mem>>)
      %dma_wait3A_9 = tpu.memref_slice %arg3[%mul3A_2] : memref<2048xi32, #tpu.memory_space<hbm>> -> memref<64xi32, #tpu.memory_space<hbm>>
      %dma_wait3A_10 = tpu.memref_slice %arg3[%mul3A_2] : memref<2048xi32, #tpu.memory_space<hbm>> -> memref<64xi32, #tpu.memory_space<hbm>>
      tpu.wait_dma2 semaphore(%run_scoped3A : memref<!tpu.dma_semaphore, #tpu.memory_space<semaphore_mem>>) src(%dma_wait3A_10 : memref<64xi32, #tpu.memory_space<hbm>>) dst(%arg5 : memref<64xi32, #tpu.memory_space<vmem>>)
      tpu.yield
    }) : () -> ()
    "tpu.region"() ({
      %run_scoped3A = tpu.sem_alloc : memref<!tpu.dma_semaphore, #tpu.memory_space<semaphore_mem>>
      %dma_start3A_7 = arith.constant 0 : i32
      %dma_start3A_8 = tpu.memref_slice %arg2[%mul3A_2, %dma_start3A_7] : memref<2048x896xf32, #tpu.memory_space<hbm>> -> memref<64x896xf32, #tpu.memory_space<hbm>>
      %dma_start3A_9 = arith.constant 0 : i32
      %dma_start3A_10 = tpu.memref_slice %arg2[%mul3A_2, %dma_start3A_9] : memref<2048x896xf32, #tpu.memory_space<hbm>> -> memref<64x896xf32, #tpu.memory_space<hbm>>
      tpu.enqueue_dma source(%dma_start3A_10 : memref<64x896xf32, #tpu.memory_space<hbm>>) target(%arg6 : memref<64x896xf32, #tpu.memory_space<vmem>>) target_semaphore(%run_scoped3A : memref<!tpu.dma_semaphore, #tpu.memory_space<semaphore_mem>>)
      %dma_wait3A_11 = arith.constant 0 : i32
      %dma_wait3A_12 = tpu.memref_slice %arg2[%mul3A_2, %dma_wait3A_11] : memref<2048x896xf32, #tpu.memory_space<hbm>> -> memref<64x896xf32, #tpu.memory_space<hbm>>
      %dma_wait3A_13 = arith.constant 0 : i32
      %dma_wait3A_14 = tpu.memref_slice %arg2[%mul3A_2, %dma_wait3A_13] : memref<2048x896xf32, #tpu.memory_space<hbm>> -> memref<64x896xf32, #tpu.memory_space<hbm>>
      tpu.wait_dma2 semaphore(%run_scoped3A : memref<!tpu.dma_semaphore, #tpu.memory_space<semaphore_mem>>) src(%dma_wait3A_14 : memref<64x896xf32, #tpu.memory_space<hbm>>) dst(%arg6 : memref<64x896xf32, #tpu.memory_space<vmem>>)
      tpu.yield
    }) : () -> ()
    %dma_start3A = arith.constant 0 : i32
    %dma_start3A_3 = arith.constant 0 : i32
    %dma_start3A_4 = tpu.memref_slice %arg4[%dma_start3A, %dma_start3A_3] : memref<2048x896xf32, #tpu.memory_space<hbm>> -> memref<2048x896xf32, #tpu.memory_space<hbm>>
    tpu.enqueue_indirect_dma source(%arg6 : memref<64x896xf32, #tpu.memory_space<vmem>>) target(%dma_start3A_4 : memref<2048x896xf32, #tpu.memory_space<hbm>>) offsets(%arg5 : memref<64xi32, #tpu.memory_space<vmem>>) semaphore(%arg7 : memref<!tpu.dma_semaphore, #tpu.memory_space<semaphore_mem>>)
    %dma_wait3A = arith.constant 0 : i32
    %dma_wait3A_5 = arith.constant 0 : i32
    %dma_wait3A_6 = tpu.memref_slice %arg4[%dma_wait3A, %dma_wait3A_5] : memref<2048x896xf32, #tpu.memory_space<hbm>> -> memref<2048x896xf32, #tpu.memory_space<hbm>>
    tpu.wait_indirect_dma semaphore(%arg7 : memref<!tpu.dma_semaphore, #tpu.memory_space<semaphore_mem>>) src(%arg6 : memref<64x896xf32, #tpu.memory_space<vmem>>) dst(%dma_wait3A_6 : memref<2048x896xf32, #tpu.memory_space<hbm>>)
    return
  }
}

#map = affine_map<(d0, d1) -> (0, 0)>
#map1 = affine_map<(d0, d1) -> (0)>
module attributes {stable_mosaic.version = 14 : i64} {
  func.func @_sc_unsort_body(%arg0: i32, %arg1: i32, %arg2: memref<2048x768xf32, #tpu.memory_space<hbm>>, %arg3: memref<2048xi32, #tpu.memory_space<hbm>>, %arg4: memref<2048x768xf32, #tpu.memory_space<hbm>>, %arg5: memref<64xi32, #tpu.memory_space<vmem>>, %arg6: memref<64x768xf32, #tpu.memory_space<vmem>>, %arg7: memref<!tpu.dma_semaphore, #tpu.memory_space<semaphore_mem>>) attributes {dimension_semantics = [#tpu.dimension_semantics<core_parallel>, #tpu.dimension_semantics<subcore_parallel>], iteration_bounds = array<i64: 2, 16>, scalar_prefetch = 0 : i64, scratch_operands = 3 : i64, tpu.core_type = #tpu.core_type<sc_vector_subcore>, window_params = [{transform_indices = #map}, {transform_indices = #map1}, {transform_indices = #map}]} {
    %mul3A = arith.constant 2 : i32
    %mul3A_0 = arith.muli %arg1, %mul3A : i32
    %add3A = arith.addi %mul3A_0, %arg0 : i32
    %mul3A_1 = arith.constant 64 : i32
    %mul3A_2 = arith.muli %add3A, %mul3A_1 : i32
    "tpu.region"() ({
      %run_scoped3A = tpu.sem_alloc : memref<!tpu.dma_semaphore, #tpu.memory_space<semaphore_mem>>
      %dma_start3A_7 = tpu.memref_slice %arg3[%mul3A_2] : memref<2048xi32, #tpu.memory_space<hbm>> -> memref<64xi32, #tpu.memory_space<hbm>>
      %dma_start3A_8 = tpu.memref_slice %arg3[%mul3A_2] : memref<2048xi32, #tpu.memory_space<hbm>> -> memref<64xi32, #tpu.memory_space<hbm>>
      tpu.enqueue_dma source(%dma_start3A_8 : memref<64xi32, #tpu.memory_space<hbm>>) target(%arg5 : memref<64xi32, #tpu.memory_space<vmem>>) target_semaphore(%run_scoped3A : memref<!tpu.dma_semaphore, #tpu.memory_space<semaphore_mem>>)
      %dma_wait3A_9 = tpu.memref_slice %arg3[%mul3A_2] : memref<2048xi32, #tpu.memory_space<hbm>> -> memref<64xi32, #tpu.memory_space<hbm>>
      %dma_wait3A_10 = tpu.memref_slice %arg3[%mul3A_2] : memref<2048xi32, #tpu.memory_space<hbm>> -> memref<64xi32, #tpu.memory_space<hbm>>
      tpu.wait_dma2 semaphore(%run_scoped3A : memref<!tpu.dma_semaphore, #tpu.memory_space<semaphore_mem>>) src(%dma_wait3A_10 : memref<64xi32, #tpu.memory_space<hbm>>) dst(%arg5 : memref<64xi32, #tpu.memory_space<vmem>>)
      tpu.yield
    }) : () -> ()
    %dma_start3A = arith.constant 0 : i32
    %dma_start3A_3 = arith.constant 0 : i32
    %dma_start3A_4 = tpu.memref_slice %arg2[%dma_start3A, %dma_start3A_3] : memref<2048x768xf32, #tpu.memory_space<hbm>> -> memref<2048x768xf32, #tpu.memory_space<hbm>>
    tpu.enqueue_indirect_dma source(%dma_start3A_4 : memref<2048x768xf32, #tpu.memory_space<hbm>>) target(%arg6 : memref<64x768xf32, #tpu.memory_space<vmem>>) offsets(%arg5 : memref<64xi32, #tpu.memory_space<vmem>>) semaphore(%arg7 : memref<!tpu.dma_semaphore, #tpu.memory_space<semaphore_mem>>)
    %dma_wait3A = arith.constant 0 : i32
    %dma_wait3A_5 = arith.constant 0 : i32
    %dma_wait3A_6 = tpu.memref_slice %arg2[%dma_wait3A, %dma_wait3A_5] : memref<2048x768xf32, #tpu.memory_space<hbm>> -> memref<2048x768xf32, #tpu.memory_space<hbm>>
    tpu.wait_indirect_dma semaphore(%arg7 : memref<!tpu.dma_semaphore, #tpu.memory_space<semaphore_mem>>) src(%dma_wait3A_6 : memref<2048x768xf32, #tpu.memory_space<hbm>>) dst(%arg6 : memref<64x768xf32, #tpu.memory_space<vmem>>)
    "tpu.region"() ({
      %run_scoped3A = tpu.sem_alloc : memref<!tpu.dma_semaphore, #tpu.memory_space<semaphore_mem>>
      %dma_start3A_7 = arith.constant 0 : i32
      %dma_start3A_8 = tpu.memref_slice %arg4[%mul3A_2, %dma_start3A_7] : memref<2048x768xf32, #tpu.memory_space<hbm>> -> memref<64x768xf32, #tpu.memory_space<hbm>>
      %dma_start3A_9 = arith.constant 0 : i32
      %dma_start3A_10 = tpu.memref_slice %arg4[%mul3A_2, %dma_start3A_9] : memref<2048x768xf32, #tpu.memory_space<hbm>> -> memref<64x768xf32, #tpu.memory_space<hbm>>
      tpu.enqueue_dma source(%arg6 : memref<64x768xf32, #tpu.memory_space<vmem>>) target(%dma_start3A_10 : memref<64x768xf32, #tpu.memory_space<hbm>>) target_semaphore(%run_scoped3A : memref<!tpu.dma_semaphore, #tpu.memory_space<semaphore_mem>>)
      %dma_wait3A_11 = arith.constant 0 : i32
      %dma_wait3A_12 = tpu.memref_slice %arg4[%mul3A_2, %dma_wait3A_11] : memref<2048x768xf32, #tpu.memory_space<hbm>> -> memref<64x768xf32, #tpu.memory_space<hbm>>
      %dma_wait3A_13 = arith.constant 0 : i32
      %dma_wait3A_14 = tpu.memref_slice %arg4[%mul3A_2, %dma_wait3A_13] : memref<2048x768xf32, #tpu.memory_space<hbm>> -> memref<64x768xf32, #tpu.memory_space<hbm>>
      tpu.wait_dma2 semaphore(%run_scoped3A : memref<!tpu.dma_semaphore, #tpu.memory_space<semaphore_mem>>) src(%arg6 : memref<64x768xf32, #tpu.memory_space<vmem>>) dst(%dma_wait3A_14 : memref<64x768xf32, #tpu.memory_space<hbm>>)
      tpu.yield
    }) : () -> ()
    return
  }
}

module attributes {stable_mosaic.version = 14 : i64} {
  func.func @_prep_body(%arg0: memref<2048x768xf32, #tpu.memory_space<vmem>>, %arg1: memref<2048x1xf32, #tpu.memory_space<vmem>>, %arg2: memref<768x4xf32, #tpu.memory_space<vmem>>, %arg3: memref<2048x896xf32, #tpu.memory_space<vmem>>, %arg4: memref<2048xi32, #tpu.memory_space<vmem>>, %arg5: memref<1x16xi32, #tpu.memory_space<vmem>>) attributes {dimension_semantics = [], scalar_prefetch = 0 : i64, scratch_operands = 0 : i64, tpu.core_type = #tpu.core_type<tc>} {
    %get3A = arith.constant 0 : index
    %get3A_0 = arith.constant 0 : index
    %get3A_1 = vector.load %arg0[%get3A, %get3A_0] : memref<2048x768xf32, #tpu.memory_space<vmem>>, vector<2048x768xf32>
    %reduce_sum3A = arith.constant dense<0.000000e+00> : vector<2048xf32>
    %reduce_sum3A_2 = vector.multi_reduction <add>, %get3A_1, %reduce_sum3A [1] : vector<2048x768xf32> to vector<2048xf32>
    %broadcast_in_dim3A = vector.shape_cast %reduce_sum3A_2 : vector<2048xf32> to vector<2048x1xf32>
    %div3A = arith.constant 7.680000e+02 : f32
    %div3A_3 = vector.broadcast %div3A : f32 to vector<2048x1xf32>
    %div3A_4 = arith.divf %broadcast_in_dim3A, %div3A_3 : vector<2048x1xf32>
    %sub3A = vector.broadcast %div3A_4 : vector<2048x1xf32> to vector<2048x768xf32>
    %sub3A_5 = arith.subf %get3A_1, %sub3A : vector<2048x768xf32>
    %integer_pow3A = arith.mulf %sub3A_5, %sub3A_5 : vector<2048x768xf32>
    %reduce_sum3A_6 = arith.constant dense<0.000000e+00> : vector<2048xf32>
    %reduce_sum3A_7 = vector.multi_reduction <add>, %integer_pow3A, %reduce_sum3A_6 [1] : vector<2048x768xf32> to vector<2048xf32>
    %broadcast_in_dim3A_8 = vector.shape_cast %reduce_sum3A_7 : vector<2048xf32> to vector<2048x1xf32>
    %div3A_9 = arith.constant 7.680000e+02 : f32
    %div3A_10 = vector.broadcast %div3A_9 : f32 to vector<2048x1xf32>
    %div3A_11 = arith.divf %broadcast_in_dim3A_8, %div3A_10 : vector<2048x1xf32>
    %sub3A_12 = vector.broadcast %div3A_4 : vector<2048x1xf32> to vector<2048x768xf32>
    %sub3A_13 = arith.subf %get3A_1, %sub3A_12 : vector<2048x768xf32>
    %add3A = arith.constant 9.99999974E-6 : f32
    %add3A_14 = vector.broadcast %add3A : f32 to vector<2048x1xf32>
    %add3A_15 = arith.addf %div3A_11, %add3A_14 : vector<2048x1xf32>
    %rsqrt3A = math.rsqrt %add3A_15 : vector<2048x1xf32>
    %mul3A = vector.broadcast %rsqrt3A : vector<2048x1xf32> to vector<2048x768xf32>
    %mul3A_16 = arith.mulf %sub3A_13, %mul3A : vector<2048x768xf32>
    %get3A_17 = arith.constant 0 : index
    %get3A_18 = arith.constant 0 : index
    %get3A_19 = vector.load %arg1[%get3A_17, %get3A_18] : memref<2048x1xf32, #tpu.memory_space<vmem>>, vector<2048x1xf32>
    %mul3A_20 = vector.broadcast %get3A_19 : vector<2048x1xf32> to vector<2048x768xf32>
    %mul3A_21 = arith.mulf %mul3A_16, %mul3A_20 : vector<2048x768xf32>
    %get3A_22 = arith.constant 0 : index
    %get3A_23 = arith.constant 0 : index
    %get3A_24 = vector.load %arg2[%get3A_22, %get3A_23] : memref<768x4xf32, #tpu.memory_space<vmem>>, vector<768x4xf32>
    %dot_general3A = arith.constant dense<0.000000e+00> : vector<2048x4xf32>
    %dot_general3A_25 = tpu.matmul %mul3A_16, %get3A_24, %dot_general3A {dimension_numbers = #tpu.dot_dimension_numbers<[1], [0], [0], [1], [0, 0, 1, 1], [], []>, transpose_lhs_hint = false} : vector<2048x768xf32>, vector<768x4xf32>, vector<2048x4xf32> -> vector<2048x4xf32>
    %neg3A = arith.constant 0.000000e+00 : f32
    %neg3A_26 = vector.broadcast %neg3A : f32 to vector<2048x4xf32>
    %neg3A_27 = arith.subf %neg3A_26, %dot_general3A_25 : vector<2048x4xf32>
    %concatenate3A = tpu.concatenate %dot_general3A_25, %neg3A_27 in 1 : vector<2048x4xf32>, vector<2048x4xf32> -> vector<2048x8xf32>
    %reduce_max3A = arith.constant dense<0xFF800000> : vector<2048xf32>
    %reduce_max3A_28 = vector.multi_reduction <maximumf>, %concatenate3A, %reduce_max3A [1] : vector<2048x8xf32> to vector<2048xf32>
    %broadcast_in_dim3A_29 = vector.shape_cast %reduce_max3A_28 : vector<2048xf32> to vector<2048x1xf32>
    %iota3A = tpu.iota {dimensions = array<i32: 1>} : vector<2048x8xi32>
    %eq3A = vector.broadcast %broadcast_in_dim3A_29 : vector<2048x1xf32> to vector<2048x8xf32>
    %eq3A_30 = arith.cmpf oeq, %concatenate3A, %eq3A : vector<2048x8xf32>
    %jit3A = arith.constant 8 : i32
    %broadcast_in_dim3A_31 = vector.broadcast %jit3A : i32 to vector<2048x8xi32>
    %select_n3A = arith.select %eq3A_30, %iota3A, %broadcast_in_dim3A_31 : vector<2048x8xi1>, vector<2048x8xi32>
    %reduce_min3A = arith.constant dense<2147483647> : vector<2048xi32>
    %reduce_min3A_32 = vector.multi_reduction <minsi>, %select_n3A, %reduce_min3A [1] : vector<2048x8xi32> to vector<2048xi32>
    %broadcast_in_dim3A_33 = vector.shape_cast %reduce_min3A_32 : vector<2048xi32> to vector<2048x1xi32>
    %eq3A_34 = vector.broadcast %broadcast_in_dim3A_33 : vector<2048x1xi32> to vector<2048x8xi32>
    %eq3A_35 = arith.cmpi eq, %iota3A, %eq3A_34 : vector<2048x8xi32>
    %convert_element_type3A = arith.extui %eq3A_35 : vector<2048x8xi1> to vector<2048x8xi32>
    %convert_element_type3A_36 = arith.sitofp %convert_element_type3A : vector<2048x8xi32> to vector<2048x8xf32>
    %iota3A_37 = tpu.iota {dimensions = array<i32: 1>} : vector<2048x128xi32>
    %eq3A_38 = vector.broadcast %broadcast_in_dim3A_33 : vector<2048x1xi32> to vector<2048x128xi32>
    %eq3A_39 = arith.cmpi eq, %iota3A_37, %eq3A_38 : vector<2048x128xi32>
    %jit3A_40 = arith.constant 8.000000e+00 : f32
    %jit3A_41 = arith.constant 0.000000e+00 : f32
    %broadcast_in_dim3A_42 = vector.broadcast %jit3A_40 : f32 to vector<2048x128xf32>
    %broadcast_in_dim3A_43 = vector.broadcast %jit3A_41 : f32 to vector<2048x128xf32>
    %select_n3A_44 = arith.select %eq3A_39, %broadcast_in_dim3A_42, %broadcast_in_dim3A_43 : vector<2048x128xi1>, vector<2048x128xf32>
    %eq3A_45 = arith.constant 8 : i32
    %eq3A_46 = vector.broadcast %eq3A_45 : i32 to vector<2048x128xi32>
    %eq3A_47 = arith.cmpi eq, %iota3A_37, %eq3A_46 : vector<2048x128xi32>
    %jit3A_48 = arith.constant 1.000000e+00 : f32
    %jit3A_49 = arith.constant 0.000000e+00 : f32
    %broadcast_in_dim3A_50 = vector.broadcast %jit3A_48 : f32 to vector<2048x128xf32>
    %broadcast_in_dim3A_51 = vector.broadcast %jit3A_49 : f32 to vector<2048x128xf32>
    %select_n3A_52 = arith.select %eq3A_47, %broadcast_in_dim3A_50, %broadcast_in_dim3A_51 : vector<2048x128xi1>, vector<2048x128xf32>
    %add3A_53 = arith.addf %select_n3A_44, %select_n3A_52 : vector<2048x128xf32>
    %mul3A_54 = arith.constant 0.189958915 : f32
    %mul3A_55 = vector.broadcast %mul3A_54 : f32 to vector<2048x768xf32>
    %mul3A_56 = arith.mulf %mul3A_21, %mul3A_55 : vector<2048x768xf32>
    %concatenate3A_57 = tpu.concatenate %mul3A_56, %add3A_53 in 1 : vector<2048x768xf32>, vector<2048x128xf32> -> vector<2048x896xf32>
    %swap3A = arith.constant 0 : index
    %swap3A_58 = arith.constant 0 : index
    %swap3A_59 = vector.load %arg3[%swap3A, %swap3A_58] : memref<2048x896xf32, #tpu.memory_space<vmem>>, vector<2048x896xf32>
    tpu.vector_store %arg3[%swap3A, %swap3A_58], %concatenate3A_57 {strides = array<i32>} : memref<2048x896xf32, #tpu.memory_space<vmem>>, vector<2048x896xf32>,
    %iota3A_60 = tpu.iota {dimensions = array<i32: 0>} : vector<2048x2048xi32>
    %iota3A_61 = tpu.iota {dimensions = array<i32: 1>} : vector<2048x2048xi32>
    %lt3A = arith.cmpi slt, %iota3A_61, %iota3A_60 : vector<2048x2048xi32>
    %convert_element_type3A_62 = arith.extui %lt3A : vector<2048x2048xi1> to vector<2048x2048xi32>
    %convert_element_type3A_63 = arith.sitofp %convert_element_type3A_62 : vector<2048x2048xi32> to vector<2048x2048xf32>
    %convert_element_type3A_64 = arith.truncf %convert_element_type3A_63 : vector<2048x2048xf32> to vector<2048x2048xbf16>
    %convert_element_type3A_65 = arith.truncf %convert_element_type3A_36 : vector<2048x8xf32> to vector<2048x8xbf16>
    %dot_general3A_66 = arith.constant dense<0.000000e+00> : vector<2048x8xf32>
    %dot_general3A_67 = tpu.matmul %convert_element_type3A_64, %convert_element_type3A_65, %dot_general3A_66 {dimension_numbers = #tpu.dot_dimension_numbers<[1], [0], [0], [1], [0, 0, 1, 1], [], []>, transpose_lhs_hint = false} : vector<2048x2048xbf16>, vector<2048x8xbf16>, vector<2048x8xf32> -> vector<2048x8xf32>
    %reduce_sum3A_68 = arith.constant dense<0.000000e+00> : vector<8xf32>
    %reduce_sum3A_69 = vector.multi_reduction <add>, %convert_element_type3A_36, %reduce_sum3A_68 [0] : vector<2048x8xf32> to vector<8xf32>
    %broadcast_in_dim3A_70 = vector.shape_cast %reduce_sum3A_69 : vector<8xf32> to vector<1x8xf32>
    %iota3A_71 = tpu.iota {dimensions = array<i32: 0>} : vector<8x8xi32>
    %iota3A_72 = tpu.iota {dimensions = array<i32: 1>} : vector<8x8xi32>
    %lt3A_73 = arith.cmpi slt, %iota3A_71, %iota3A_72 : vector<8x8xi32>
    %convert_element_type3A_74 = arith.extui %lt3A_73 : vector<8x8xi1> to vector<8x8xi32>
    %convert_element_type3A_75 = arith.sitofp %convert_element_type3A_74 : vector<8x8xi32> to vector<8x8xf32>
    %dot_general3A_76 = arith.constant dense<0.000000e+00> : vector<1x8xf32>
    %dot_general3A_77 = tpu.matmul %broadcast_in_dim3A_70, %convert_element_type3A_75, %dot_general3A_76 {dimension_numbers = #tpu.dot_dimension_numbers<[1], [0], [0], [1], [0, 0, 1, 1], [], []>, transpose_lhs_hint = false} : vector<1x8xf32>, vector<8x8xf32>, vector<1x8xf32> -> vector<1x8xf32>
    %add3A_78 = vector.broadcast %dot_general3A_77 : vector<1x8xf32> to vector<2048x8xf32>
    %add3A_79 = arith.addf %dot_general3A_67, %add3A_78 : vector<2048x8xf32>
    %mul3A_80 = arith.mulf %convert_element_type3A_36, %add3A_79 : vector<2048x8xf32>
    %reduce_sum3A_81 = arith.constant dense<0.000000e+00> : vector<2048xf32>
    %reduce_sum3A_82 = vector.multi_reduction <add>, %mul3A_80, %reduce_sum3A_81 [1] : vector<2048x8xf32> to vector<2048xf32>
    %broadcast_in_dim3A_83 = vector.shape_cast %reduce_sum3A_82 : vector<2048xf32> to vector<2048x1xf32>
    %convert_element_type3A_84 = arith.fptosi %broadcast_in_dim3A_83 : vector<2048x1xf32> to vector<2048x1xi32>
    %squeeze3A = vector.shape_cast %convert_element_type3A_84 : vector<2048x1xi32> to vector<2048xi32>
    %swap3A_85 = arith.constant 0 : index
    %swap3A_86 = vector.load %arg4[%swap3A_85] : memref<2048xi32, #tpu.memory_space<vmem>>, vector<2048xi32>
    tpu.vector_store %arg4[%swap3A_85], %squeeze3A {strides = array<i32>} : memref<2048xi32, #tpu.memory_space<vmem>>, vector<2048xi32>,
    %broadcast_in_dim3A_87 = arith.constant 2.048000e+03 : f32
    %broadcast_in_dim3A_88 = vector.broadcast %broadcast_in_dim3A_87 : f32 to vector<1x8xf32>
    %concatenate3A_89 = tpu.concatenate %dot_general3A_77, %broadcast_in_dim3A_88 in 1 : vector<1x8xf32>, vector<1x8xf32> -> vector<1x16xf32>
    %convert_element_type3A_90 = arith.fptosi %concatenate3A_89 : vector<1x16xf32> to vector<1x16xi32>
    %swap3A_91 = arith.constant 0 : index
    %swap3A_92 = arith.constant 0 : index
    %swap3A_93 = vector.load %arg5[%swap3A_91, %swap3A_92] : memref<1x16xi32, #tpu.memory_space<vmem>>, vector<1x16xi32>
    tpu.vector_store %arg5[%swap3A_91, %swap3A_92], %convert_element_type3A_90 {strides = array<i32>} : memref<1x16xi32, #tpu.memory_space<vmem>>, vector<1x16xi32>,
    return
  }
}

module attributes {stable_mosaic.version = 14 : i64} {
  func.func @_attn_body(%arg0: i32, %arg1: memref<16xi32, #tpu.memory_space<smem>>, %arg2: memref<2048x896xf32, #tpu.memory_space<vmem>>, %arg3: memref<256x768xf32, #tpu.memory_space<vmem>>, %arg4: memref<2048x896xbf16, #tpu.memory_space<vmem>>) attributes {dimension_semantics = [#tpu.dimension_semantics<arbitrary>], iteration_bounds = array<i64: 9>, scalar_prefetch = 1 : i64, scratch_operands = 1 : i64, tpu.core_type = #tpu.core_type<tc>, window_params = [{pipeline_mode = #tpu.pipeline_mode<synchronous>, transform_indices = @transform_0, window_bounds = array<i64: 2048, 896>}, {transform_indices = @transform_1, window_bounds = array<i64: 256, 768>}]} {
    %eq3A = arith.constant 0 : i32
    %eq3A_0 = arith.cmpi eq, %arg0, %eq3A : i32
    %convert_element_type3A = arith.extui %eq3A_0 : i1 to i32
    %cond3A = arith.constant 0 : i32
    %cond3A_1 = arith.cmpi ne, %convert_element_type3A, %cond3A : i32
    scf.if %cond3A_1 {
      %get3A = arith.constant 0 : index
      %get3A_6 = arith.constant 0 : index
      %get3A_7 = vector.load %arg2[%get3A, %get3A_6] : memref<2048x896xf32, #tpu.memory_space<vmem>>, vector<2048x896xf32>
      %convert_element_type3A_8 = arith.truncf %get3A_7 : vector<2048x896xf32> to vector<2048x896xbf16>
      %swap3A = arith.constant 0 : index
      %swap3A_9 = arith.constant 0 : index
      %swap3A_10 = vector.load %arg4[%swap3A, %swap3A_9] : memref<2048x896xbf16, #tpu.memory_space<vmem>>, vector<2048x896xbf16>
      tpu.vector_store %arg4[%swap3A, %swap3A_9], %convert_element_type3A_8 {strides = array<i32>} : memref<2048x896xbf16, #tpu.memory_space<vmem>>, vector<2048x896xbf16>,
    } else {
    }
    %gt3A = arith.constant 0 : i32
    %gt3A_2 = arith.cmpi sgt, %arg0, %gt3A : i32
    %convert_element_type3A_3 = arith.extui %gt3A_2 : i1 to i32
    %cond3A_4 = arith.constant 0 : i32
    %cond3A_5 = arith.cmpi ne, %convert_element_type3A_3, %cond3A_4 : i32
    scf.if %cond3A_5 {
      %sub3A = arith.constant 1 : i32
      %sub3A_6 = arith.subi %arg0, %sub3A : i32
      %mul3A = arith.constant 256 : i32
      %mul3A_7 = arith.muli %sub3A_6, %mul3A : i32
      %get3A = arith.constant 1 : index
      %get3A_8 = memref.load %arg1[%get3A] : memref<16xi32, #tpu.memory_space<smem>>
      %le3A = arith.cmpi sle, %get3A_8, %mul3A_7 : i32
      %jit3A = arith.constant 0 : i32
      %select_n3A = arith.select %le3A, %get3A_8, %jit3A : i32
      %get3A_9 = arith.constant 2 : index
      %get3A_10 = memref.load %arg1[%get3A_9] : memref<16xi32, #tpu.memory_space<smem>>
      %le3A_11 = arith.cmpi sle, %get3A_10, %mul3A_7 : i32
      %select_n3A_12 = arith.select %le3A_11, %get3A_10, %select_n3A : i32
      %get3A_13 = arith.constant 3 : index
      %get3A_14 = memref.load %arg1[%get3A_13] : memref<16xi32, #tpu.memory_space<smem>>
      %le3A_15 = arith.cmpi sle, %get3A_14, %mul3A_7 : i32
      %select_n3A_16 = arith.select %le3A_15, %get3A_14, %select_n3A_12 : i32
      %get3A_17 = arith.constant 4 : index
      %get3A_18 = memref.load %arg1[%get3A_17] : memref<16xi32, #tpu.memory_space<smem>>
      %le3A_19 = arith.cmpi sle, %get3A_18, %mul3A_7 : i32
      %select_n3A_20 = arith.select %le3A_19, %get3A_18, %select_n3A_16 : i32
      %get3A_21 = arith.constant 5 : index
      %get3A_22 = memref.load %arg1[%get3A_21] : memref<16xi32, #tpu.memory_space<smem>>
      %le3A_23 = arith.cmpi sle, %get3A_22, %mul3A_7 : i32
      %select_n3A_24 = arith.select %le3A_23, %get3A_22, %select_n3A_20 : i32
      %get3A_25 = arith.constant 6 : index
      %get3A_26 = memref.load %arg1[%get3A_25] : memref<16xi32, #tpu.memory_space<smem>>
      %le3A_27 = arith.cmpi sle, %get3A_26, %mul3A_7 : i32
      %select_n3A_28 = arith.select %le3A_27, %get3A_26, %select_n3A_24 : i32
      %get3A_29 = arith.constant 7 : index
      %get3A_30 = memref.load %arg1[%get3A_29] : memref<16xi32, #tpu.memory_space<smem>>
      %le3A_31 = arith.cmpi sle, %get3A_30, %mul3A_7 : i32
      %select_n3A_32 = arith.select %le3A_31, %get3A_30, %select_n3A_28 : i32
      %get3A_33 = arith.constant 7 : index
      %get3A_34 = memref.load %arg1[%get3A_33] : memref<16xi32, #tpu.memory_space<smem>>
      %add3A = arith.constant 256 : i32
      %add3A_35 = arith.addi %mul3A_7, %add3A : i32
      %sub3A_36 = arith.constant 1 : i32
      %sub3A_37 = arith.subi %add3A_35, %sub3A_36 : i32
      %gt3A_38 = arith.cmpi sgt, %get3A_34, %sub3A_37 : i32
      %jit3A_39 = arith.constant 2048 : i32
      %select_n3A_40 = arith.select %gt3A_38, %get3A_34, %jit3A_39 : i32
      %get3A_41 = arith.constant 6 : index
      %get3A_42 = memref.load %arg1[%get3A_41] : memref<16xi32, #tpu.memory_space<smem>>
      %add3A_43 = arith.constant 256 : i32
      %add3A_44 = arith.addi %mul3A_7, %add3A_43 : i32
      %sub3A_45 = arith.constant 1 : i32
      %sub3A_46 = arith.subi %add3A_44, %sub3A_45 : i32
      %gt3A_47 = arith.cmpi sgt, %get3A_42, %sub3A_46 : i32
      %select_n3A_48 = arith.select %gt3A_47, %get3A_42, %select_n3A_40 : i32
      %get3A_49 = arith.constant 5 : index
      %get3A_50 = memref.load %arg1[%get3A_49] : memref<16xi32, #tpu.memory_space<smem>>
      %add3A_51 = arith.constant 256 : i32
      %add3A_52 = arith.addi %mul3A_7, %add3A_51 : i32
      %sub3A_53 = arith.constant 1 : i32
      %sub3A_54 = arith.subi %add3A_52, %sub3A_53 : i32
      %gt3A_55 = arith.cmpi sgt, %get3A_50, %sub3A_54 : i32
      %select_n3A_56 = arith.select %gt3A_55, %get3A_50, %select_n3A_48 : i32
      %get3A_57 = arith.constant 4 : index
      %get3A_58 = memref.load %arg1[%get3A_57] : memref<16xi32, #tpu.memory_space<smem>>
      %add3A_59 = arith.constant 256 : i32
      %add3A_60 = arith.addi %mul3A_7, %add3A_59 : i32
      %sub3A_61 = arith.constant 1 : i32
      %sub3A_62 = arith.subi %add3A_60, %sub3A_61 : i32
      %gt3A_63 = arith.cmpi sgt, %get3A_58, %sub3A_62 : i32
      %select_n3A_64 = arith.select %gt3A_63, %get3A_58, %select_n3A_56 : i32
      %get3A_65 = arith.constant 3 : index
      %get3A_66 = memref.load %arg1[%get3A_65] : memref<16xi32, #tpu.memory_space<smem>>
      %add3A_67 = arith.constant 256 : i32
      %add3A_68 = arith.addi %mul3A_7, %add3A_67 : i32
      %sub3A_69 = arith.constant 1 : i32
      %sub3A_70 = arith.subi %add3A_68, %sub3A_69 : i32
      %gt3A_71 = arith.cmpi sgt, %get3A_66, %sub3A_70 : i32
      %select_n3A_72 = arith.select %gt3A_71, %get3A_66, %select_n3A_64 : i32
      %get3A_73 = arith.constant 2 : index
      %get3A_74 = memref.load %arg1[%get3A_73] : memref<16xi32, #tpu.memory_space<smem>>
      %add3A_75 = arith.constant 256 : i32
      %add3A_76 = arith.addi %mul3A_7, %add3A_75 : i32
      %sub3A_77 = arith.constant 1 : i32
      %sub3A_78 = arith.subi %add3A_76, %sub3A_77 : i32
      %gt3A_79 = arith.cmpi sgt, %get3A_74, %sub3A_78 : i32
      %select_n3A_80 = arith.select %gt3A_79, %get3A_74, %select_n3A_72 : i32
      %get3A_81 = arith.constant 1 : index
      %get3A_82 = memref.load %arg1[%get3A_81] : memref<16xi32, #tpu.memory_space<smem>>
      %add3A_83 = arith.constant 256 : i32
      %add3A_84 = arith.addi %mul3A_7, %add3A_83 : i32
      %sub3A_85 = arith.constant 1 : i32
      %sub3A_86 = arith.subi %add3A_84, %sub3A_85 : i32
      %gt3A_87 = arith.cmpi sgt, %get3A_82, %sub3A_86 : i32
      %select_n3A_88 = arith.select %gt3A_87, %get3A_82, %select_n3A_80 : i32
      %jit3A_89 = arith.constant 256 : i32
      %div3A = arith.divsi %select_n3A_32, %jit3A_89 : i32
      %sign3A = arith.constant 0 : i32
      %sign3A_90 = arith.cmpi sgt, %select_n3A_32, %sign3A : i32
      %sign3A_91 = arith.extui %sign3A_90 : i1 to i32
      %sign3A_92 = arith.constant 0 : i32
      %sign3A_93 = arith.cmpi slt, %select_n3A_32, %sign3A_92 : i32
      %sign3A_94 = arith.extui %sign3A_93 : i1 to i32
      %sign3A_95 = arith.subi %sign3A_91, %sign3A_94 : i32
      %sign3A_96 = arith.constant 0 : i32
      %sign3A_97 = arith.cmpi sgt, %jit3A_89, %sign3A_96 : i32
      %sign3A_98 = arith.extui %sign3A_97 : i1 to i32
      %sign3A_99 = arith.constant 0 : i32
      %sign3A_100 = arith.cmpi slt, %jit3A_89, %sign3A_99 : i32
      %sign3A_101 = arith.extui %sign3A_100 : i1 to i32
      %sign3A_102 = arith.subi %sign3A_98, %sign3A_101 : i32
      %ne3A = arith.cmpi ne, %sign3A_95, %sign3A_102 : i32
      %rem3A = arith.remsi %select_n3A_32, %jit3A_89 : i32
      %ne3A_103 = arith.constant 0 : i32
      %ne3A_104 = arith.cmpi ne, %rem3A, %ne3A_103 : i32
      %and3A = arith.andi %ne3A, %ne3A_104 : i1
      %sub3A_105 = arith.constant 1 : i32
      %sub3A_106 = arith.subi %div3A, %sub3A_105 : i32
      %select_n3A_107 = arith.select %and3A, %sub3A_106, %div3A : i32
      %add3A_108 = arith.constant 256 : i32
      %add3A_109 = arith.addi %select_n3A_88, %add3A_108 : i32
      %sub3A_110 = arith.constant 1 : i32
      %sub3A_111 = arith.subi %add3A_109, %sub3A_110 : i32
      %jit3A_112 = arith.constant 256 : i32
      %div3A_113 = arith.divsi %sub3A_111, %jit3A_112 : i32
      %sign3A_114 = arith.constant 0 : i32
      %sign3A_115 = arith.cmpi sgt, %sub3A_111, %sign3A_114 : i32
      %sign3A_116 = arith.extui %sign3A_115 : i1 to i32
      %sign3A_117 = arith.constant 0 : i32
      %sign3A_118 = arith.cmpi slt, %sub3A_111, %sign3A_117 : i32
      %sign3A_119 = arith.extui %sign3A_118 : i1 to i32
      %sign3A_120 = arith.subi %sign3A_116, %sign3A_119 : i32
      %sign3A_121 = arith.constant 0 : i32
      %sign3A_122 = arith.cmpi sgt, %jit3A_112, %sign3A_121 : i32
      %sign3A_123 = arith.extui %sign3A_122 : i1 to i32
      %sign3A_124 = arith.constant 0 : i32
      %sign3A_125 = arith.cmpi slt, %jit3A_112, %sign3A_124 : i32
      %sign3A_126 = arith.extui %sign3A_125 : i1 to i32
      %sign3A_127 = arith.subi %sign3A_123, %sign3A_126 : i32
      %ne3A_128 = arith.cmpi ne, %sign3A_120, %sign3A_127 : i32
      %rem3A_129 = arith.remsi %sub3A_111, %jit3A_112 : i32
      %ne3A_130 = arith.constant 0 : i32
      %ne3A_131 = arith.cmpi ne, %rem3A_129, %ne3A_130 : i32
      %and3A_132 = arith.andi %ne3A_128, %ne3A_131 : i1
      %sub3A_133 = arith.constant 1 : i32
      %sub3A_134 = arith.subi %div3A_113, %sub3A_133 : i32
      %select_n3A_135 = arith.select %and3A_132, %sub3A_134, %div3A_113 : i32
      %get3A_136 = arith.index_cast %mul3A_7 : i32 to index
      %get3A_137 = arith.constant 0 : index
      %get3A_138 = vector.load %arg4[%get3A_136, %get3A_137] : memref<2048x896xbf16, #tpu.memory_space<vmem>>, vector<256x896xbf16>
      %broadcast_in_dim3A = arith.constant 0.000000e+00 : f32
      %broadcast_in_dim3A_139 = vector.broadcast %broadcast_in_dim3A : f32 to vector<256x896xf32>
      %while3A = arith.subi %select_n3A_135, %select_n3A_107 : i32
      %while3A_140 = arith.addi %select_n3A_107, %while3A : i32
      %while3A_141 = arith.constant 1 : i32
      %while3A_142 = arith.divsi %while3A, %while3A_141 : i32
      %while3A_143 = arith.muli %while3A_142, %while3A_141 : i32
      %while3A_144 = arith.addi %select_n3A_107, %while3A_143 : i32
      %while3A_145 = arith.constant 1 : i32
      %while3A_146 = scf.for %while3A_320 = %select_n3A_107 to %while3A_144 step %while3A_145 iter_args(%while3A_321 = %broadcast_in_dim3A_139) -> (vector<256x896xf32>)  : i32 {
        %mul3A_322 = arith.constant 256 : i32
        %mul3A_323 = arith.muli %while3A_320, %mul3A_322 : i32
        %get3A_324 = arith.index_cast %mul3A_323 : i32 to index
        %get3A_325 = arith.constant 0 : index
        %get3A_326 = vector.load %arg4[%get3A_324, %get3A_325] : memref<2048x896xbf16, #tpu.memory_space<vmem>>, vector<256x896xbf16>
        %dot_general3A = arith.constant dense<0.000000e+00> : vector<256x256xf32>
        %dot_general3A_327 = tpu.matmul %get3A_138, %get3A_326, %dot_general3A {dimension_numbers = #tpu.dot_dimension_numbers<[1], [1], [0], [0], [0, 0, 1, 0], [], []>, transpose_lhs_hint = false} : vector<256x896xbf16>, vector<256x896xbf16>, vector<256x256xf32> -> vector<256x256xf32>
        %sub3A_328 = arith.constant 9.300000e+01 : f32
        %sub3A_329 = vector.broadcast %sub3A_328 : f32 to vector<256x256xf32>
        %sub3A_330 = arith.subf %dot_general3A_327, %sub3A_329 : vector<256x256xf32>
        %exp3A_331 = math.exp %sub3A_330 : vector<256x256xf32>
        %convert_element_type3A_332 = arith.truncf %exp3A_331 : vector<256x256xf32> to vector<256x256xbf16>
        %dot_general3A_333 = arith.constant dense<0.000000e+00> : vector<256x896xf32>
        %dot_general3A_334 = tpu.matmul %convert_element_type3A_332, %get3A_326, %dot_general3A_333 {dimension_numbers = #tpu.dot_dimension_numbers<[1], [0], [0], [1], [0, 0, 1, 1], [], []>, transpose_lhs_hint = false} : vector<256x256xbf16>, vector<256x896xbf16>, vector<256x896xf32> -> vector<256x896xf32>
        %add3A_335 = arith.addf %while3A_321, %dot_general3A_334 : vector<256x896xf32>
        scf.yield %add3A_335 : vector<256x896xf32>
      }
      %while3A_147 = arith.constant 1 : i32
      %while3A_148 = scf.for %while3A_320 = %while3A_144 to %while3A_140 step %while3A_147 iter_args(%while3A_321 = %while3A_146) -> (vector<256x896xf32>)  : i32 {
        %mul3A_322 = arith.constant 256 : i32
        %mul3A_323 = arith.muli %while3A_320, %mul3A_322 : i32
        %get3A_324 = arith.index_cast %mul3A_323 : i32 to index
        %get3A_325 = arith.constant 0 : index
        %get3A_326 = vector.load %arg4[%get3A_324, %get3A_325] : memref<2048x896xbf16, #tpu.memory_space<vmem>>, vector<256x896xbf16>
        %dot_general3A = arith.constant dense<0.000000e+00> : vector<256x256xf32>
        %dot_general3A_327 = tpu.matmul %get3A_138, %get3A_326, %dot_general3A {dimension_numbers = #tpu.dot_dimension_numbers<[1], [1], [0], [0], [0, 0, 1, 0], [], []>, transpose_lhs_hint = false} : vector<256x896xbf16>, vector<256x896xbf16>, vector<256x256xf32> -> vector<256x256xf32>
        %sub3A_328 = arith.constant 9.300000e+01 : f32
        %sub3A_329 = vector.broadcast %sub3A_328 : f32 to vector<256x256xf32>
        %sub3A_330 = arith.subf %dot_general3A_327, %sub3A_329 : vector<256x256xf32>
        %exp3A_331 = math.exp %sub3A_330 : vector<256x256xf32>
        %convert_element_type3A_332 = arith.truncf %exp3A_331 : vector<256x256xf32> to vector<256x256xbf16>
        %dot_general3A_333 = arith.constant dense<0.000000e+00> : vector<256x896xf32>
        %dot_general3A_334 = tpu.matmul %convert_element_type3A_332, %get3A_326, %dot_general3A_333 {dimension_numbers = #tpu.dot_dimension_numbers<[1], [0], [0], [1], [0, 0, 1, 1], [], []>, transpose_lhs_hint = false} : vector<256x256xbf16>, vector<256x896xbf16>, vector<256x896xf32> -> vector<256x896xf32>
        %add3A_335 = arith.addf %while3A_321, %dot_general3A_334 : vector<256x896xf32>
        scf.yield %add3A_335 : vector<256x896xf32>
      }
      %slice3A = vector.extract_strided_slice %while3A_148 {offsets = [0, 776], sizes = [256, 1], strides = [1, 1]} : vector<256x896xf32> to vector<256x1xf32>
      %iota3A = tpu.iota {dimensions = array<i32: 0>} : vector<256x1xi32>
      %add3A_149 = vector.broadcast %mul3A_7 : i32 to vector<256x1xi32>
      %add3A_150 = arith.addi %iota3A, %add3A_149 : vector<256x1xi32>
      %broadcast_in_dim3A_151 = arith.constant 0 : i32
      %broadcast_in_dim3A_152 = vector.broadcast %broadcast_in_dim3A_151 : i32 to vector<256x1xi32>
      %get3A_153 = arith.constant 1 : index
      %get3A_154 = memref.load %arg1[%get3A_153] : memref<16xi32, #tpu.memory_space<smem>>
      %le3A_155 = vector.broadcast %get3A_154 : i32 to vector<256x1xi32>
      %le3A_156 = arith.cmpi sle, %le3A_155, %add3A_150 : vector<256x1xi32>
      %jit3A_157 = arith.constant 1 : i32
      %jit3A_158 = arith.constant 0 : i32
      %broadcast_in_dim3A_159 = vector.broadcast %jit3A_157 : i32 to vector<256x1xi32>
      %broadcast_in_dim3A_160 = vector.broadcast %jit3A_158 : i32 to vector<256x1xi32>
      %select_n3A_161 = arith.select %le3A_156, %broadcast_in_dim3A_159, %broadcast_in_dim3A_160 : vector<256x1xi1>, vector<256x1xi32>
      %add3A_162 = arith.addi %broadcast_in_dim3A_152, %select_n3A_161 : vector<256x1xi32>
      %get3A_163 = arith.constant 2 : index
      %get3A_164 = memref.load %arg1[%get3A_163] : memref<16xi32, #tpu.memory_space<smem>>
      %le3A_165 = vector.broadcast %get3A_164 : i32 to vector<256x1xi32>
      %le3A_166 = arith.cmpi sle, %le3A_165, %add3A_150 : vector<256x1xi32>
      %jit3A_167 = arith.constant 1 : i32
      %jit3A_168 = arith.constant 0 : i32
      %broadcast_in_dim3A_169 = vector.broadcast %jit3A_167 : i32 to vector<256x1xi32>
      %broadcast_in_dim3A_170 = vector.broadcast %jit3A_168 : i32 to vector<256x1xi32>
      %select_n3A_171 = arith.select %le3A_166, %broadcast_in_dim3A_169, %broadcast_in_dim3A_170 : vector<256x1xi1>, vector<256x1xi32>
      %add3A_172 = arith.addi %add3A_162, %select_n3A_171 : vector<256x1xi32>
      %get3A_173 = arith.constant 3 : index
      %get3A_174 = memref.load %arg1[%get3A_173] : memref<16xi32, #tpu.memory_space<smem>>
      %le3A_175 = vector.broadcast %get3A_174 : i32 to vector<256x1xi32>
      %le3A_176 = arith.cmpi sle, %le3A_175, %add3A_150 : vector<256x1xi32>
      %jit3A_177 = arith.constant 1 : i32
      %jit3A_178 = arith.constant 0 : i32
      %broadcast_in_dim3A_179 = vector.broadcast %jit3A_177 : i32 to vector<256x1xi32>
      %broadcast_in_dim3A_180 = vector.broadcast %jit3A_178 : i32 to vector<256x1xi32>
      %select_n3A_181 = arith.select %le3A_176, %broadcast_in_dim3A_179, %broadcast_in_dim3A_180 : vector<256x1xi1>, vector<256x1xi32>
      %add3A_182 = arith.addi %add3A_172, %select_n3A_181 : vector<256x1xi32>
      %get3A_183 = arith.constant 4 : index
      %get3A_184 = memref.load %arg1[%get3A_183] : memref<16xi32, #tpu.memory_space<smem>>
      %le3A_185 = vector.broadcast %get3A_184 : i32 to vector<256x1xi32>
      %le3A_186 = arith.cmpi sle, %le3A_185, %add3A_150 : vector<256x1xi32>
      %jit3A_187 = arith.constant 1 : i32
      %jit3A_188 = arith.constant 0 : i32
      %broadcast_in_dim3A_189 = vector.broadcast %jit3A_187 : i32 to vector<256x1xi32>
      %broadcast_in_dim3A_190 = vector.broadcast %jit3A_188 : i32 to vector<256x1xi32>
      %select_n3A_191 = arith.select %le3A_186, %broadcast_in_dim3A_189, %broadcast_in_dim3A_190 : vector<256x1xi1>, vector<256x1xi32>
      %add3A_192 = arith.addi %add3A_182, %select_n3A_191 : vector<256x1xi32>
      %get3A_193 = arith.constant 5 : index
      %get3A_194 = memref.load %arg1[%get3A_193] : memref<16xi32, #tpu.memory_space<smem>>
      %le3A_195 = vector.broadcast %get3A_194 : i32 to vector<256x1xi32>
      %le3A_196 = arith.cmpi sle, %le3A_195, %add3A_150 : vector<256x1xi32>
      %jit3A_197 = arith.constant 1 : i32
      %jit3A_198 = arith.constant 0 : i32
      %broadcast_in_dim3A_199 = vector.broadcast %jit3A_197 : i32 to vector<256x1xi32>
      %broadcast_in_dim3A_200 = vector.broadcast %jit3A_198 : i32 to vector<256x1xi32>
      %select_n3A_201 = arith.select %le3A_196, %broadcast_in_dim3A_199, %broadcast_in_dim3A_200 : vector<256x1xi1>, vector<256x1xi32>
      %add3A_202 = arith.addi %add3A_192, %select_n3A_201 : vector<256x1xi32>
      %get3A_203 = arith.constant 6 : index
      %get3A_204 = memref.load %arg1[%get3A_203] : memref<16xi32, #tpu.memory_space<smem>>
      %le3A_205 = vector.broadcast %get3A_204 : i32 to vector<256x1xi32>
      %le3A_206 = arith.cmpi sle, %le3A_205, %add3A_150 : vector<256x1xi32>
      %jit3A_207 = arith.constant 1 : i32
      %jit3A_208 = arith.constant 0 : i32
      %broadcast_in_dim3A_209 = vector.broadcast %jit3A_207 : i32 to vector<256x1xi32>
      %broadcast_in_dim3A_210 = vector.broadcast %jit3A_208 : i32 to vector<256x1xi32>
      %select_n3A_211 = arith.select %le3A_206, %broadcast_in_dim3A_209, %broadcast_in_dim3A_210 : vector<256x1xi1>, vector<256x1xi32>
      %add3A_212 = arith.addi %add3A_202, %select_n3A_211 : vector<256x1xi32>
      %get3A_213 = arith.constant 7 : index
      %get3A_214 = memref.load %arg1[%get3A_213] : memref<16xi32, #tpu.memory_space<smem>>
      %le3A_215 = vector.broadcast %get3A_214 : i32 to vector<256x1xi32>
      %le3A_216 = arith.cmpi sle, %le3A_215, %add3A_150 : vector<256x1xi32>
      %jit3A_217 = arith.constant 1 : i32
      %jit3A_218 = arith.constant 0 : i32
      %broadcast_in_dim3A_219 = vector.broadcast %jit3A_217 : i32 to vector<256x1xi32>
      %broadcast_in_dim3A_220 = vector.broadcast %jit3A_218 : i32 to vector<256x1xi32>
      %select_n3A_221 = arith.select %le3A_216, %broadcast_in_dim3A_219, %broadcast_in_dim3A_220 : vector<256x1xi1>, vector<256x1xi32>
      %add3A_222 = arith.addi %add3A_212, %select_n3A_221 : vector<256x1xi32>
      %broadcast_in_dim3A_223 = arith.constant 0 : i32
      %broadcast_in_dim3A_224 = vector.broadcast %broadcast_in_dim3A_223 : i32 to vector<256x1xi32>
      %get3A_225 = arith.constant 1 : index
      %get3A_226 = memref.load %arg1[%get3A_225] : memref<16xi32, #tpu.memory_space<smem>>
      %get3A_227 = arith.constant 0 : index
      %get3A_228 = memref.load %arg1[%get3A_227] : memref<16xi32, #tpu.memory_space<smem>>
      %sub3A_229 = arith.subi %get3A_226, %get3A_228 : i32
      %eq3A_230 = arith.constant 0 : i32
      %eq3A_231 = vector.broadcast %eq3A_230 : i32 to vector<256x1xi32>
      %eq3A_232 = arith.cmpi eq, %add3A_222, %eq3A_231 : vector<256x1xi32>
      %broadcast_in_dim3A_233 = vector.broadcast %sub3A_229 : i32 to vector<256x1xi32>
      %select_n3A_234 = arith.select %eq3A_232, %broadcast_in_dim3A_233, %broadcast_in_dim3A_224 : vector<256x1xi1>, vector<256x1xi32>
      %get3A_235 = arith.constant 2 : index
      %get3A_236 = memref.load %arg1[%get3A_235] : memref<16xi32, #tpu.memory_space<smem>>
      %get3A_237 = arith.constant 1 : index
      %get3A_238 = memref.load %arg1[%get3A_237] : memref<16xi32, #tpu.memory_space<smem>>
      %sub3A_239 = arith.subi %get3A_236, %get3A_238 : i32
      %eq3A_240 = arith.constant 1 : i32
      %eq3A_241 = vector.broadcast %eq3A_240 : i32 to vector<256x1xi32>
      %eq3A_242 = arith.cmpi eq, %add3A_222, %eq3A_241 : vector<256x1xi32>
      %broadcast_in_dim3A_243 = vector.broadcast %sub3A_239 : i32 to vector<256x1xi32>
      %select_n3A_244 = arith.select %eq3A_242, %broadcast_in_dim3A_243, %select_n3A_234 : vector<256x1xi1>, vector<256x1xi32>
      %get3A_245 = arith.constant 3 : index
      %get3A_246 = memref.load %arg1[%get3A_245] : memref<16xi32, #tpu.memory_space<smem>>
      %get3A_247 = arith.constant 2 : index
      %get3A_248 = memref.load %arg1[%get3A_247] : memref<16xi32, #tpu.memory_space<smem>>
      %sub3A_249 = arith.subi %get3A_246, %get3A_248 : i32
      %eq3A_250 = arith.constant 2 : i32
      %eq3A_251 = vector.broadcast %eq3A_250 : i32 to vector<256x1xi32>
      %eq3A_252 = arith.cmpi eq, %add3A_222, %eq3A_251 : vector<256x1xi32>
      %broadcast_in_dim3A_253 = vector.broadcast %sub3A_249 : i32 to vector<256x1xi32>
      %select_n3A_254 = arith.select %eq3A_252, %broadcast_in_dim3A_253, %select_n3A_244 : vector<256x1xi1>, vector<256x1xi32>
      %get3A_255 = arith.constant 4 : index
      %get3A_256 = memref.load %arg1[%get3A_255] : memref<16xi32, #tpu.memory_space<smem>>
      %get3A_257 = arith.constant 3 : index
      %get3A_258 = memref.load %arg1[%get3A_257] : memref<16xi32, #tpu.memory_space<smem>>
      %sub3A_259 = arith.subi %get3A_256, %get3A_258 : i32
      %eq3A_260 = arith.constant 3 : i32
      %eq3A_261 = vector.broadcast %eq3A_260 : i32 to vector<256x1xi32>
      %eq3A_262 = arith.cmpi eq, %add3A_222, %eq3A_261 : vector<256x1xi32>
      %broadcast_in_dim3A_263 = vector.broadcast %sub3A_259 : i32 to vector<256x1xi32>
      %select_n3A_264 = arith.select %eq3A_262, %broadcast_in_dim3A_263, %select_n3A_254 : vector<256x1xi1>, vector<256x1xi32>
      %get3A_265 = arith.constant 5 : index
      %get3A_266 = memref.load %arg1[%get3A_265] : memref<16xi32, #tpu.memory_space<smem>>
      %get3A_267 = arith.constant 4 : index
      %get3A_268 = memref.load %arg1[%get3A_267] : memref<16xi32, #tpu.memory_space<smem>>
      %sub3A_269 = arith.subi %get3A_266, %get3A_268 : i32
      %eq3A_270 = arith.constant 4 : i32
      %eq3A_271 = vector.broadcast %eq3A_270 : i32 to vector<256x1xi32>
      %eq3A_272 = arith.cmpi eq, %add3A_222, %eq3A_271 : vector<256x1xi32>
      %broadcast_in_dim3A_273 = vector.broadcast %sub3A_269 : i32 to vector<256x1xi32>
      %select_n3A_274 = arith.select %eq3A_272, %broadcast_in_dim3A_273, %select_n3A_264 : vector<256x1xi1>, vector<256x1xi32>
      %get3A_275 = arith.constant 6 : index
      %get3A_276 = memref.load %arg1[%get3A_275] : memref<16xi32, #tpu.memory_space<smem>>
      %get3A_277 = arith.constant 5 : index
      %get3A_278 = memref.load %arg1[%get3A_277] : memref<16xi32, #tpu.memory_space<smem>>
      %sub3A_279 = arith.subi %get3A_276, %get3A_278 : i32
      %eq3A_280 = arith.constant 5 : i32
      %eq3A_281 = vector.broadcast %eq3A_280 : i32 to vector<256x1xi32>
      %eq3A_282 = arith.cmpi eq, %add3A_222, %eq3A_281 : vector<256x1xi32>
      %broadcast_in_dim3A_283 = vector.broadcast %sub3A_279 : i32 to vector<256x1xi32>
      %select_n3A_284 = arith.select %eq3A_282, %broadcast_in_dim3A_283, %select_n3A_274 : vector<256x1xi1>, vector<256x1xi32>
      %get3A_285 = arith.constant 7 : index
      %get3A_286 = memref.load %arg1[%get3A_285] : memref<16xi32, #tpu.memory_space<smem>>
      %get3A_287 = arith.constant 6 : index
      %get3A_288 = memref.load %arg1[%get3A_287] : memref<16xi32, #tpu.memory_space<smem>>
      %sub3A_289 = arith.subi %get3A_286, %get3A_288 : i32
      %eq3A_290 = arith.constant 6 : i32
      %eq3A_291 = vector.broadcast %eq3A_290 : i32 to vector<256x1xi32>
      %eq3A_292 = arith.cmpi eq, %add3A_222, %eq3A_291 : vector<256x1xi32>
      %broadcast_in_dim3A_293 = vector.broadcast %sub3A_289 : i32 to vector<256x1xi32>
      %select_n3A_294 = arith.select %eq3A_292, %broadcast_in_dim3A_293, %select_n3A_284 : vector<256x1xi1>, vector<256x1xi32>
      %get3A_295 = arith.constant 7 : index
      %get3A_296 = memref.load %arg1[%get3A_295] : memref<16xi32, #tpu.memory_space<smem>>
      %sub3A_297 = arith.constant 2048 : i32
      %sub3A_298 = arith.subi %sub3A_297, %get3A_296 : i32
      %eq3A_299 = arith.constant 7 : i32
      %eq3A_300 = vector.broadcast %eq3A_299 : i32 to vector<256x1xi32>
      %eq3A_301 = arith.cmpi eq, %add3A_222, %eq3A_300 : vector<256x1xi32>
      %broadcast_in_dim3A_302 = vector.broadcast %sub3A_298 : i32 to vector<256x1xi32>
      %select_n3A_303 = arith.select %eq3A_301, %broadcast_in_dim3A_302, %select_n3A_294 : vector<256x1xi1>, vector<256x1xi32>
      %sub3A_304 = arith.constant 2048 : i32
      %sub3A_305 = vector.broadcast %sub3A_304 : i32 to vector<256x1xi32>
      %sub3A_306 = arith.subi %sub3A_305, %select_n3A_303 : vector<256x1xi32>
      %convert_element_type3A_307 = arith.sitofp %sub3A_306 : vector<256x1xi32> to vector<256x1xf32>
      %exp3A = arith.constant -2.800000e+01 : f32
      %exp3A_308 = math.exp %exp3A : f32
      %mul3A_309 = vector.broadcast %exp3A_308 : f32 to vector<256x1xf32>
      %mul3A_310 = arith.mulf %convert_element_type3A_307, %mul3A_309 : vector<256x1xf32>
      %add3A_311 = arith.addf %slice3A, %mul3A_310 : vector<256x1xf32>
      %slice3A_312 = vector.extract_strided_slice %while3A_148 {offsets = [0, 0], sizes = [256, 768], strides = [1, 1]} : vector<256x896xf32> to vector<256x768xf32>
      %div3A_313 = arith.constant 5.26429605 : f32
      %div3A_314 = vector.broadcast %div3A_313 : f32 to vector<256x1xf32>
      %div3A_315 = arith.divf %div3A_314, %add3A_311 : vector<256x1xf32>
      %mul3A_316 = vector.broadcast %div3A_315 : vector<256x1xf32> to vector<256x768xf32>
      %mul3A_317 = arith.mulf %slice3A_312, %mul3A_316 : vector<256x768xf32>
      %swap3A = arith.constant 0 : index
      %swap3A_318 = arith.constant 0 : index
      %swap3A_319 = vector.load %arg3[%swap3A, %swap3A_318] : memref<256x768xf32, #tpu.memory_space<vmem>>, vector<256x768xf32>
      tpu.vector_store %arg3[%swap3A, %swap3A_318], %mul3A_317 {strides = array<i32>} : memref<256x768xf32, #tpu.memory_space<vmem>>, vector<256x768xf32>,
    } else {
    }
    return
  }
  func.func @transform_0(%arg0: i32, %arg1: memref<16xi32, #tpu.memory_space<smem>>) -> (i32, i32) {
    %c0_i32 = arith.constant 0 : i32
    %c0_i32_0 = arith.constant 0 : i32
    %c0_i32_1 = arith.constant 0 : i32
    return %c0_i32, %c0_i32_0 : i32, i32
  }
  func.func @transform_1(%arg0: i32, %arg1: memref<16xi32, #tpu.memory_space<smem>>) -> (i32, i32) {
    %sub3A = arith.constant 1 : i32
    %sub3A_0 = arith.subi %arg0, %sub3A : i32
    %max3A = arith.constant 0 : i32
    %max3A_1 = arith.maxsi %sub3A_0, %max3A : i32
    %c0_i32 = arith.constant 0 : i32
    %c0_i32_2 = arith.constant 0 : i32
    return %max3A_1, %c0_i32 : i32, i32
  }
}

</mosaic_0001>

<sc_bundles>
// kernel: kernel.6.cloned.1.call-start
scs
__scs_entry_jumppad:
0x0: {  	(pc) =	sbr.rel $0x88, $3  }
0x1: {  	(tag) =	ssettag $0x0;
	lr =	simm.s32 $0x1  }
0x2: {  	[smem:$0x3F9E] =	sst lr;
	_ =	strace $0xD0000000  }
0x3: {  	_ = 	snop  }
0x4: {  	_ = 	snop  }
0x5: {  	_ = 	snop  }
0x6: {  	_ = 	snop  }
0x7: {  	_ = 	snop  }
__scs_overlays_trampoline_lowered:
0x8: {  	[smem:$0x3FAD] =	sst s0  }
0x9: {  	[smem:$0x3FAE] =	sst s1  }
0xa: {  	[smem:$0x3FAF] =	sst s2  }
0xb: {  	[smem:$0x3FB0] =	sst s3  }
0xc: {  	[smem:$0x3FB1] =	sst s4  }
0xd: {  	[smem:$0x3FB2] =	sst s5  }
0xe: {  	[smem:$0x3FB3] =	sst s6  }
0xf: {  	[smem:$0x3FB4] =	sst s7  }
0x10: {  	[smem:$0x3FB5] =	sst s8  }
0x11: {  	[smem:$0x3FB6] =	sst s9;
	s0 =	simm.s32 @!p0 $0x0  }
0x12: {  	s1 =	sld [smem:$0x3F9C];
	s0 =	simm.s32 @p0 $0x1  }
0x13: {  	[smem:$0x3FB7] =	sst s0;
	s0 =	simm.s32 @!p1 $0x0  }
0x14: {  	s2 =	sld [smem:$0x3F9B];
	s0 =	simm.s32 @p1 $0x1  }
0x15: {  	[smem:$0x3FB8] =	sst s0;
	s0 =	simm.s32 @!p2 $0x0  }
0x16: {  	s3 =	sld [smem:$0x3FDB];
	s0 =	simm.s32 @p2 $0x1  }
0x17: {  	s4 =	simm.s32 $0x1BF5;
	[smem:$0x3FBA] =	sst s0  }
0x18: {  	s0 =	sld [smem:$0x3F9D];
	_ =	swait.ge [sflag:s4], $0x0  }
0x19: {  	s7 =	sld [smem:$0x3F9E]  }
0x1a: {  	s8 =	sadd.s32 $0xFFFFE003, lr  }
0x1b: {  	s9 =	sadd.s32 $0xFFFFFEF7, lr;
	s5 =	simm.s32 $0xFFFFFFFF;
	p2 =	slt.u32 s8, $0xFFFFF086  }
0x1c: {  	p1 =	slt.u32 s9, $0xF7A;
	s5 =	simm.s32 @!p2 $0x0  }
0x1d: {  	s5 =	simm.s32 @p1 $0x1;
	p0 =	seq.s32 s7, s2  }
0x1e: {  	s7 =	smul.u32 @!p0 $0xF7A, s2;
	p2 =	seq.s32 @!p0 s5, $0x0  }
0x1f: {  	s9 =	smul.u32 $0xF7A, s1;
	s8 =	simm.s32 @!p0 $0x1BF5;
	p2 =	por !p2, p0  }
0x20: {  	[sflag:s8] =	ssyncset.s32 @!p0 $0xFFFFF086;
	s6 =	sadd.s32 @!p0 s3, s7;
	s7 =	simm.s32 @!p0 $0x108  }
0x21: {  	s3 =	sadd.s32 s3, s9;
	s6 =	sadd.s32 @!p0 $0x88, s6;
	s7 =	simm.s32 @p2 $0x1082  }
0x22: {  	[simem:s7], [sflag:s8] =	dma.local @!p0 [hbm:s6], $0xF7A  }
0x23: {  	s9 =	sor.u32 $0xD0000000, s2;
	s6 =	simm.s32 $0x108;
	_ =	swait.ge @!p0 [sflag:s8], $0x0  }
0x24: {  	s3 =	sadd.s32 $0x88, s3;
	s6 =	simm.s32 @!p1 $0x1082;
	[sflag:s4] =	ssyncset.s32 $0xFFFFF086  }
0x25: {  	[simem:s6], [sflag:s4] =	dma.local [hbm:s3], $0xF7A  }
0x26: {  	[smem:$0x3F9E] =	sst s1;
	(tag) =	ssettag s2;
	_ =	strace s9  }
0x27: {  	s1 =	sld [smem:$0x3FAE]  }
0x28: {  	s2 =	sld [smem:$0x3FAF]  }
0x29: {  	s4 =	sld [smem:$0x3FB1]  }
0x2a: {  	p0 =	seq.s32 s5, $0x0;
	s5 =	sld [smem:$0x3FB2]  }
0x2b: {  	s6 =	sld [smem:$0x3FB3]  }
0x2c: {  	s7 =	sld [smem:$0x3FB4]  }
0x2d: {  	s3 =	simm.s32 $0x108;
	s8 =	sld [smem:$0x3FB5]  }
0x2e: {  	s3 =	simm.s32 @!p0 $0x1082;
	s9 =	sld [smem:$0x3FB6]  }
0x2f: {  	lr =	sadd.s32 s0, s3;
	s0 =	sld [smem:$0x3FAD]  }
0x30: {  	s3 =	sld [smem:$0x3FB0]  }
0x31: {  	[smem:$0x3FB9] =	sst s10  }
0x32: {  	s10 =	sld [smem:$0x3FB7];
	_ =	sdelay $0x3  }
0x33: {  	p0 =	seq.s32 s10, $0x1;
	s10 =	sld [smem:$0x3FB9];
	_ =	sdelay $0x3  }
0x34: {  	[smem:$0x3FB9] =	sst s10  }
0x35: {  	s10 =	sld [smem:$0x3FB8];
	_ =	sdelay $0x3  }
0x36: {  	p1 =	seq.s32 s10, $0x1;
	s10 =	sld [smem:$0x3FB9];
	_ =	sdelay $0x3  }
0x37: {  	[smem:$0x3FB9] =	sst s10  }
0x38: {  	s10 =	sld [smem:$0x3FBA]  }
0x39: {  	_ = 	snop;
	(pc) =	sbr.ind lr, $3  }
0x3a: {  	_ = 	snop  }
0x3b: {  	_ = 	snop  }
0x3c: {  	p2 =	seq.s32 s10, $0x1;
	s10 =	sld [smem:$0x3FB9]  }
0x3d: {  	_ =	shalt  }
0x3e: {  	_ =	shalt  }
0x3f: {  	_ =	shalt  }
0x40: {  	_ =	shalt  }
0x41: {  	_ =	shalt  }
0x42: {  	_ =	shalt  }
0x43: {  	_ =	shalt  }
0x44: {  	_ =	shalt  }
0x45: {  	_ =	shalt  }
0x46: {  	_ =	shalt  }
0x47: {  	_ =	shalt  }
0x48: {  	_ =	shalt  }
0x49: {  	_ =	shalt  }
0x4a: {  	_ =	shalt  }
0x4b: {  	_ =	shalt  }
0x4c: {  	_ =	shalt  }
0x4d: {  	_ =	shalt  }
0x4e: {  	_ =	shalt  }
0x4f: {  	_ =	shalt  }
0x50: {  	_ =	shalt  }
0x51: {  	_ =	shalt  }
0x52: {  	_ =	shalt  }
0x53: {  	_ =	shalt  }
0x54: {  	_ =	shalt  }
0x55: {  	_ =	shalt  }
0x56: {  	_ =	shalt  }
0x57: {  	_ =	shalt  }
0x58: {  	_ =	shalt  }
0x59: {  	_ =	shalt  }
0x5a: {  	_ =	shalt  }
0x5b: {  	_ =	shalt  }
0x5c: {  	_ =	shalt  }
0x5d: {  	_ =	shalt  }
0x5e: {  	_ =	shalt  }
0x5f: {  	_ =	shalt  }
0x60: {  	_ =	shalt  }
0x61: {  	_ =	shalt  }
0x62: {  	_ =	shalt  }
0x63: {  	_ =	shalt  }
0x64: {  	_ =	shalt  }
0x65: {  	_ =	shalt  }
0x66: {  	_ =	shalt  }
0x67: {  	_ =	shalt  }
0x68: {  	_ =	shalt  }
0x69: {  	_ =	shalt  }
0x6a: {  	_ =	shalt  }
0x6b: {  	_ =	shalt  }
0x6c: {  	_ =	shalt  }
0x6d: {  	_ =	shalt  }
0x6e: {  	_ =	shalt  }
0x6f: {  	_ =	shalt  }
0x70: {  	_ =	shalt  }
0x71: {  	_ =	shalt  }
0x72: {  	_ =	shalt  }
0x73: {  	_ =	shalt  }
0x74: {  	_ =	shalt  }
0x75: {  	_ =	shalt  }
0x76: {  	_ =	shalt  }
0x77: {  	_ =	shalt  }
0x78: {  	_ =	shalt  }
0x79: {  	_ =	shalt  }
0x7a: {  	_ =	shalt  }
0x7b: {  	_ =	shalt  }
0x7c: {  	_ =	shalt  }
0x7d: {  	_ =	shalt  }
0x7e: {  	_ =	shalt  }
0x7f: {  	_ =	shalt  }
0x80: {  	_ =	shalt  }
0x81: {  	_ =	shalt  }
0x82: {  	_ =	shalt  }
0x83: {  	_ =	shalt  }
0x84: {  	_ =	shalt  }
0x85: {  	_ =	shalt  }
0x86: {  	_ =	shalt  }
0x87: {  	_ =	shalt  }
.Lfunc_end0:
.L_simem_size_0:
called_computation_lowered:
.L_overlay_start_0:
0x88: {  	s2 =	sld [smem:$0x3FD9]  }
0x89: {  	s3 =	sld [smem:$0x3FFE];
	_ =	sdelay $0x1  }
0x8a: {  	s1 =	srdreg.scid  }
0x8b: {  	s0 =	sand.u32 $0x1, s1  }
0x8c: {  	s16 =	sshll.u32 s0, $0xA;
	s2 =	sadd.s32 s3, s2  }
0x8d: {  	s2 =	sadd.s32 s2, s16  }
0x8e: {  	[smem:$0x3FC5] =	sst s2  }
0x8f: {  	_ = 	snop  }
0x90: {  	(tm) =	ssettm $0x1  }
0x91: {  	s17 =	sld [smem:$0x3FFB];
	_ =	sdelay $0x3  }
0x92: {  	_ =	strace s17  }
0x93: {  	s2 =	sld [smem:$0x3FFC];
	_ =	sdelay $0x3  }
0x94: {  	_ =	strace s2  }
0x95: {  	s2 =	sld [smem:$0x3FFD];
	_ =	sdelay $0x3  }
0x96: {  	_ =	strace s2  }
0x97: {  	_ =	strace $0x8FFFFFFF  }
0x98: {  	s18 =	sld [smem:$0x3FDB];
	_ =	sdelay $0x1  }
0x99: {  	s19 =	simm.s32 $_scs_section_size  }
0x9a: {  	s4 =	simm.s32 $_size__tile_overlayer_lowered;
	s5 =	simm.s32 $_tile_overlayer_lowered  }
0x9b: {  	s22 =	simm.s32 $0x1BFF;
	s21 =	sshll.u32 s5, $0x1;
	s2 =	sadd.s32 s19, s18  }
0x9c: {  	s6 =	simm.s32 $0x0;
	s20 =	sshll.u32 s4, $0x1;
	s4 =	sadd.s32 s21, s2  }
0x9d: {  	[timem:s6], [sflag:s22] =	dma.local [hbm:s4], s20  }
0x9e: {  	_ =	swait.ge [sflag:s22], s20  }
0x9f: {  	s3 =	ssub.s32 $0x0, s20;
	[sflag:s22] =	ssyncset.done $0x0  }
0xa0: {  	[sflag:s22] =	ssyncadd.s32 s3;
	_ =	sdelay $0x1  }
0xa1: {  	s23 =	simm.s32 $0x1B8B  }
0xa2: {  	_ =	swait.ge [sflag:s23], $0x1  }
0xa3: {  	[sflag:s23] =	ssyncset.done $0x0  }
0xa4: {  	s25 =	simm.s32 $0x1B8E;
	s24 =	sld [smem:$0x3FFE];
	[sflag:s23] =	ssyncadd.s32 $0xFFFFFFFF  }
0xa5: {  	s26 =	simm.s32 $execute0_lowered;
	[smem:$0x3FD2] =	sst s25  }
0xa6: {  	s4 =	sshll.u32 s26, $0x1;
	_ =	strace $0x80000046;
	[dreg:$0x1] =	wrdreg $0xFFFFFFFF  }
0xa7: {  	s28 =	simm.s32 $_size_execute0_lowered;
	s2 =	sadd.s32 s2, s4;
	[dreg:$0x0] =	wrdreg $0x0  }
0xa8: {  	s4 =	sshll.u32 s28, $0x1;
	[dreg:$0x2] =	wrdreg s2  }
0xa9: {  	[dreg:$0x3] =	wrdreg s4  }
0xaa: {  	[dreg:$0x4] =	wrdreg $0xC0  }
0xab: {  	_ =	task [dreg:s6], $0x5FFFF  }
0xac: {  	[dreg:$0x1] =	wrdreg $0xFFFFFFFF  }
0xad: {  	[dreg:$0x0] =	wrdreg $0x60  }
0xae: {  	[dreg:$0x2] =	wrdreg s24  }
0xaf: {  	[dreg:$0x3] =	wrdreg $0x9  }
0xb0: {  	_ =	task.clear_ibuf [dreg:s6], $0x4FFFF;
	_ =	strace $0x90000046  }
0xb1: {  	s29 =	simm.s32 $0x9;
	_ =	strace $0x80000048  }
0xb2: {  	_ =	swait.ge [sflag:s29], $0x1  }
0xb3: {  	[sflag:s29] =	ssyncadd.s32 $0xFFFFFFFF  }
0xb4: {  	_ =	strace $0x90000048  }
0xb5: {  	_ =	sfence  }
0xb6: {  	s30 =	sld [smem:$0x0];
	_ =	sdelay $0x2  }
0xb7: {  	s31 =	sshll.u32 s1, $0xD;
	s1 =	sshrl.u32 s1, $0x2  }
0xb8: {  	s3 =	sand.u32 $0x4000, s31;
	s1 =	sadd.s32 s1, s30  }
0xb9: {  	s0 =	sor.u32 s3, s0;
	s1 =	sshll.u32 s1, $0x11  }
0xba: {  	s0 =	sor.u32 s1, s0  }
0xbb: {  	s0 =	sadd.s32 $0x8F2B, s0  }
0xbc: {  	[sflag:s0] =	ssyncadd.remote.s32 $0x1  }
0xbd: {  	_ =	sfence.sel $0xFFFF  }
0xbe: {  	[dreg:$0x0] =	wrdreg $0xFFFFFFFF;
	(pc) =	sbr.abs _section_cstart, $3  }
0xbf: {  	[dreg:$0x1] =	wrdreg $0xFFFFFFFF  }
0xc0: {  	_ =	task.clear_ibuf [dreg:s6], $0x2FFFF;
	_ =	strace $0x9FFFFFFF  }
0xc1: {  	(tm) =	ssettm $0x7FFFFFFF  }
tec
execute0_lowered:
.L_overlay_start_1:
0x0: {  	(tag) =	ssettag $0x1  }
0x1: {  	s1 =	srdreg.scid;
	s0 =	stileid.u32  }
0x2: {  	s6 =	rddreg [dreg:$0x0];
	s19 =	simm.s32 $0x880;
	s20 =	simm.s32 $0x1080  }
0x3: {  	s21 =	simm.s32 $0x1880;
	s22 =	simm.s32 $0x1C80;
	s23 =	simm.s32 $0x2480  }
0x4: {  	s7 =	simm.s32 $0x2C80;
	s24 =	simm.s32 $0x3480;
	s8 =	simm.s32 $0x3880  }
0x5: {  	s25 =	simm.s32 $0x4080;
	s26 =	simm.s32 $0x4880;
	s1 =	sand.u32 $0x1, s1  }
0x6: {  	s9 =	simm.s32 $0x80;
	s2 =	sshll.u32 s0, $0x4;
	s3 =	sshll.u32 s1, $0x3  }
0x7: {  	s11 =	simm.s32 $0x5480;
	s3 =	sor.u32 s3, s2;
	s2 =	simm.s32 $0x0  }
0x8: {  	s12 =	simm.s32 $0x5C80;
	s13 =	simm.s32 $0x6480;
	[smem:$0x7FF] =	sst s2  }
0x9: {  	s14 =	simm.s32 $0x6C80;
	_ =	strace $0x80000047;
	[dreg:$0x4] =	wrdreg s19  }
0xa: {  	s15 =	simm.s32 $0x7080;
	s16 =	simm.s32 $0x7880;
	[dreg:$0x5] =	wrdreg s20  }
0xb: {  	s17 =	simm.s32 $0x8080;
	s28 =	simm.s32 $0xC480;
	[dreg:$0x6] =	wrdreg s21  }
0xc: {  	s29 =	simm.s32 $0xCC80;
	s30 =	simm.s32 $0xD480;
	[dreg:$0x7] =	wrdreg s22  }
0xd: {  	s31 =	simm.s32 $0xDC80;
	s1 =	ssub.s32 $0x2, s1;
	[dreg:$0x8] =	wrdreg s23  }
0xe: {  	s5 =	sshrl.u32 s1, $0x1;
	s4 =	smul.u32 $0x380, s3;
	[dreg:$0x9] =	wrdreg s7  }
0xf: {  	s3 =	sadd.s32 s3, s6;
	s1 =	ssub.s32 s1, s5;
	[dreg:$0xa] =	wrdreg s24  }
0x10: {  	s5 =	sadd.s32 $0x39800, s6;
	s3 =	sadd.s32 $0x39400, s3;
	[dreg:$0xb] =	wrdreg s8  }
0x11: {  	s7 =	smax.u32 s1, $0x1;
	s8 =	simm.s32 $0x2;
	[dreg:$0xc] =	wrdreg s25  }
0x12: {  	[dreg:$0xd] =	wrdreg s26;
	s19 =	simm.s32 $0x8C80;
	s20 =	simm.s32 $0x9480  }
0x13: {  	s21 =	simm.s32 $0x9C80;
	s22 =	simm.s32 $0xA480;
	s23 =	simm.s32 $0xA880  }
0x14: {  	s24 =	simm.s32 $0xB080;
	s25 =	simm.s32 $0xB880;
	s26 =	simm.s32 $0xC080  }
0x15: {  	v2 =	vlaneseq.u32;
	s1 =	simm.s32 $0x1;
	s4 =	sadd.s32 s4, s6;
	[dreg:$0x2] =	wrdreg s3  }
0x16: {  	vm0 =	vmmov $0xffff;
	vm1 =	vmmov $0xff;
	v1 =	vshrl.u32 v2, $0x3;
	s3 =	sadd.s32 $0x39600, s6;
	s18 =	sadd.s32 $0x1400, s4;
	s4 =	sadd.s32 $0x39700, s6  }
0x17: {  	v0 =	vand.u32 $0x7, v2;
	v2 =	vor.u32 $0x8, v2;
	v1 =	vmul.u32 $0x8, v1;
	s6 =	sadd.s32 $0x39900, s6;
	[dreg:$0x3] =	wrdreg s18;
	s18 =	simm.s32 $0x8880  }
.LBB2_1:
0x18: {  	s0 =	rddreg [dreg:$0x2]  }
0x19: {  	[tilespmem:s2], [sflag:$0x2] =	stream.linear.gather [hbm4b:s0+s2], $0x40, $0x38;
	[tilespmem:$0xE080] =	vst v63  }
0x1a: {  	_ =	swait.ge [sflag:s8], $0x40  }
0x1b: {  	[sflag:s8] =	ssyncset.done $0x0  }
0x1c: {  	s10 =	rddreg [dreg:$0x3];
	[sflag:s8] =	ssyncadd.s32 $0xFFFFFFC0  }
0x1d: {  	[tilespmem:s9], [sflag:$0x2] =	stream.linear.gather [hbm4b:s10+s2], $0xE000, $0x38;
	[tilespmem:$0xE080] =	vst v63  }
0x1e: {  	_ =	swait.ge [sflag:s8], $0xE000  }
0x1f: {  	[sflag:s8] =	ssyncset.done $0x0  }
0x20: {  	[sflag:s8] =	ssyncadd.s32 $0xFFFF2000  }
0x21: {  	v3 =	vld [tilespmem:$0x0];
	_ =	sdelay $0x4  }
0x22: {  	v4 =	vshrl.u32 v3, $0x3  }
0x23: {  	v4 =	vmul.u32 $0x38, v4  }
0x24: {  	v3 =	vand.u32 $0x7, v3  }
0x25: {  	v3 =	vor.u32 v3, v4  }
0x26: {  	v4 =	vperm.xlane v3, v0;
	_ =	sdelay $0x1  }
0x27: {  	v4 =	vadd.s32 v1, v4;
	_ =	sdelay $0x4  }
0x28: {  	[hbm4b:s3+s2] =	stream.indirect_vreg.scatter [tilespmem:s9], [sflag:$0x1], $0x80, v4, vm0, $0xb8;
	[tilespmem:$0xE080] =	vst v63  }
0x29: {  	s0 =	rddreg [dreg:$0x4];
	v3 =	vperm.xlane v3, v2  }
0x2a: {  	[hbm4b:s4+s2] =	stream.indirect_vreg.scatter [tilespmem:s0], [sflag:$0x1], $0x80, v4, vm0, $0xb8;
	[tilespmem:$0xE080] =	vst v63  }
0x2b: {  	s10 =	rddreg [dreg:$0x5];
	v3 =	vadd.s32 v1, v3  }
0x2c: {  	[hbm4b:s5+s2] =	stream.indirect_vreg.scatter [tilespmem:s10], [sflag:$0x1], $0x80, v4, vm0, $0xb8;
	[tilespmem:$0xE080] =	vst v63  }
0x2d: {  	s0 =	rddreg [dreg:$0x6]  }
0x2e: {  	[hbm4b:s6+s2] =	stream.indirect_vreg.scatter [tilespmem:s0], [sflag:$0x1], $0x80, v4, vm1, $0xb8;
	[tilespmem:$0xE080] =	vst v63  }
0x2f: {  	s10 =	rddreg [dreg:$0x7]  }
0x30: {  	[hbm4b:s3+s2] =	stream.indirect_vreg.scatter [tilespmem:s10], [sflag:$0x1], $0x80, v3, vm0, $0xb8;
	[tilespmem:$0xE080] =	vst v63  }
0x31: {  	s0 =	rddreg [dreg:$0x8]  }
0x32: {  	[hbm4b:s4+s2] =	stream.indirect_vreg.scatter [tilespmem:s0], [sflag:$0x1], $0x80, v3, vm0, $0xb8;
	[tilespmem:$0xE080] =	vst v63  }
0x33: {  	s10 =	rddreg [dreg:$0x9]  }
0x34: {  	[hbm4b:s5+s2] =	stream.indirect_vreg.scatter [tilespmem:s10], [sflag:$0x1], $0x80, v3, vm0, $0xb8;
	[tilespmem:$0xE080] =	vst v63  }
0x35: {  	s0 =	rddreg [dreg:$0xa]  }
0x36: {  	[hbm4b:s6+s2] =	stream.indirect_vreg.scatter [tilespmem:s0], [sflag:$0x1], $0x80, v3, vm1, $0xb8;
	[tilespmem:$0xE080] =	vst v63  }
0x37: {  	v3 =	vld [tilespmem:$0x10];
	_ =	sdelay $0x4  }
0x38: {  	v61 =	vshrl.u32 v3, $0x3  }
0x39: {  	v4 =	vmul.u32 $0x38, v61  }
0x3a: {  	v3 =	vand.u32 $0x7, v3  }
0x3b: {  	v3 =	vor.u32 v3, v4  }
0x3c: {  	v4 =	vperm.xlane v3, v0;
	_ =	sdelay $0x1  }
0x3d: {  	v4 =	vadd.s32 v1, v4;
	_ =	sdelay $0x3  }
0x3e: {  	s0 =	rddreg [dreg:$0xb]  }
0x3f: {  	[hbm4b:s3+s2] =	stream.indirect_vreg.scatter [tilespmem:s0], [sflag:$0x1], $0x80, v4, vm0, $0xb8;
	[tilespmem:$0xE080] =	vst v63  }
0x40: {  	s10 =	rddreg [dreg:$0xc];
	v3 =	vperm.xlane v3, v2  }
0x41: {  	[hbm4b:s4+s2] =	stream.indirect_vreg.scatter [tilespmem:s10], [sflag:$0x1], $0x80, v4, vm0, $0xb8;
	[tilespmem:$0xE080] =	vst v63  }
0x42: {  	v3 =	vadd.s32 v1, v3;
	s0 =	rddreg [dreg:$0xd]  }
0x43: {  	[hbm4b:s5+s2] =	stream.indirect_vreg.scatter [tilespmem:s0], [sflag:$0x1], $0x80, v4, vm0, $0xb8;
	[tilespmem:$0xE080] =	vst v63  }
0x44: {  	s10 =	simm.s32 $0x5080  }
0x45: {  	[hbm4b:s6+s2] =	stream.indirect_vreg.scatter [tilespmem:s10], [sflag:$0x1], $0x80, v4, vm1, $0xb8;
	[tilespmem:$0xE080] =	vst v63  }
0x46: {  	_ = 	snop  }
0x47: {  	[hbm4b:s3+s2] =	stream.indirect_vreg.scatter [tilespmem:s11], [sflag:$0x1], $0x80, v3, vm0, $0xb8;
	[tilespmem:$0xE080] =	vst v63  }
0x48: {  	_ = 	snop  }
0x49: {  	[hbm4b:s4+s2] =	stream.indirect_vreg.scatter [tilespmem:s12], [sflag:$0x1], $0x80, v3, vm0, $0xb8;
	[tilespmem:$0xE080] =	vst v63  }
0x4a: {  	_ = 	snop  }
0x4b: {  	[hbm4b:s5+s2] =	stream.indirect_vreg.scatter [tilespmem:s13], [sflag:$0x1], $0x80, v3, vm0, $0xb8;
	[tilespmem:$0xE080] =	vst v63  }
0x4c: {  	_ = 	snop  }
0x4d: {  	[hbm4b:s6+s2] =	stream.indirect_vreg.scatter [tilespmem:s14], [sflag:$0x1], $0x80, v3, vm1, $0xb8;
	[tilespmem:$0xE080] =	vst v63  }
0x4e: {  	v3 =	vld [tilespmem:$0x20];
	_ =	sdelay $0x4  }
0x4f: {  	v62 =	vshrl.u32 v3, $0x3  }
0x50: {  	v4 =	vmul.u32 $0x38, v62  }
0x51: {  	v3 =	vand.u32 $0x7, v3  }
0x52: {  	v3 =	vor.u32 v3, v4  }
0x53: {  	v4 =	vperm.xlane v3, v0;
	_ =	sdelay $0x1  }
0x54: {  	v4 =	vadd.s32 v1, v4;
	_ =	sdelay $0x4  }
0x55: {  	[hbm4b:s3+s2] =	stream.indirect_vreg.scatter [tilespmem:s15], [sflag:$0x1], $0x80, v4, vm0, $0xb8;
	[tilespmem:$0xE080] =	vst v63  }
0x56: {  	v3 =	vperm.xlane v3, v2  }
0x57: {  	[hbm4b:s4+s2] =	stream.indirect_vreg.scatter [tilespmem:s16], [sflag:$0x1], $0x80, v4, vm0, $0xb8;
	[tilespmem:$0xE080] =	vst v63  }
0x58: {  	v3 =	vadd.s32 v1, v3  }
0x59: {  	[hbm4b:s5+s2] =	stream.indirect_vreg.scatter [tilespmem:s17], [sflag:$0x1], $0x80, v4, vm0, $0xb8;
	[tilespmem:$0xE080] =	vst v63  }
0x5a: {  	_ = 	snop  }
0x5b: {  	[hbm4b:s6+s2] =	stream.indirect_vreg.scatter [tilespmem:s18], [sflag:$0x1], $0x80, v4, vm1, $0xb8;
	[tilespmem:$0xE080] =	vst v63  }
0x5c: {  	_ = 	snop  }
0x5d: {  	[hbm4b:s3+s2] =	stream.indirect_vreg.scatter [tilespmem:s19], [sflag:$0x1], $0x80, v3, vm0, $0xb8;
	[tilespmem:$0xE080] =	vst v63  }
0x5e: {  	_ = 	snop  }
0x5f: {  	[hbm4b:s4+s2] =	stream.indirect_vreg.scatter [tilespmem:s20], [sflag:$0x1], $0x80, v3, vm0, $0xb8;
	[tilespmem:$0xE080] =	vst v63  }
0x60: {  	_ = 	snop  }
0x61: {  	[hbm4b:s5+s2] =	stream.indirect_vreg.scatter [tilespmem:s21], [sflag:$0x1], $0x80, v3, vm0, $0xb8;
	[tilespmem:$0xE080] =	vst v63  }
0x62: {  	_ = 	snop  }
0x63: {  	[hbm4b:s6+s2] =	stream.indirect_vreg.scatter [tilespmem:s22], [sflag:$0x1], $0x80, v3, vm1, $0xb8;
	[tilespmem:$0xE080] =	vst v63  }
0x64: {  	v3 =	vld [tilespmem:$0x30];
	_ =	sdelay $0x4  }
0x65: {  	v63 =	vshrl.u32 v3, $0x3  }
0x66: {  	v4 =	vmul.u32 $0x38, v63  }
0x67: {  	v3 =	vand.u32 $0x7, v3  }
0x68: {  	v3 =	vor.u32 v3, v4  }
0x69: {  	v4 =	vperm.xlane v3, v0;
	_ =	sdelay $0x1  }
0x6a: {  	v4 =	vadd.s32 v1, v4;
	_ =	sdelay $0x4  }
0x6b: {  	[hbm4b:s3+s2] =	stream.indirect_vreg.scatter [tilespmem:s23], [sflag:$0x1], $0x80, v4, vm0, $0xb8;
	[tilespmem:$0xE080] =	vst v63  }
0x6c: {  	v3 =	vperm.xlane v3, v2  }
0x6d: {  	[hbm4b:s4+s2] =	stream.indirect_vreg.scatter [tilespmem:s24], [sflag:$0x1], $0x80, v4, vm0, $0xb8;
	[tilespmem:$0xE080] =	vst v63  }
0x6e: {  	v3 =	vadd.s32 v1, v3  }
0x6f: {  	[hbm4b:s5+s2] =	stream.indirect_vreg.scatter [tilespmem:s25], [sflag:$0x1], $0x80, v4, vm0, $0xb8;
	[tilespmem:$0xE080] =	vst v63  }
0x70: {  	_ = 	snop  }
0x71: {  	[hbm4b:s6+s2] =	stream.indirect_vreg.scatter [tilespmem:s26], [sflag:$0x1], $0x80, v4, vm1, $0xb8;
	[tilespmem:$0xE080] =	vst v63  }
0x72: {  	_ = 	snop  }
0x73: {  	[hbm4b:s3+s2] =	stream.indirect_vreg.scatter [tilespmem:s28], [sflag:$0x1], $0x80, v3, vm0, $0xb8;
	[tilespmem:$0xE080] =	vst v63  }
0x74: {  	_ = 	snop  }
0x75: {  	[hbm4b:s4+s2] =	stream.indirect_vreg.scatter [tilespmem:s29], [sflag:$0x1], $0x80, v3, vm0, $0xb8;
	[tilespmem:$0xE080] =	vst v63  }
0x76: {  	p0 =	sne.s32 s7, $0x1  }
0x77: {  	[hbm4b:s5+s2] =	stream.indirect_vreg.scatter [tilespmem:s30], [sflag:$0x1], $0x80, v3, vm0, $0xb8;
	[tilespmem:$0xE080] =	vst v63  }
.Ltmp0:
0x78: {  	_ = 	snop;
	(pc) =	sbr.rel @p0 .LBB2_1-.Ltmp0, $4  }
0x79: {  	[hbm4b:s6+s2] =	stream.indirect_vreg.scatter [tilespmem:s31], [sflag:$0x1], $0x80, v3, vm1, $0xb8;
	[tilespmem:$0xE080] =	vst v63  }
0x7a: {  	_ =	swait.ge [sflag:s1], $0xE000  }
0x7b: {  	[sflag:s1] =	ssyncset.done $0x0  }
0x7c: {  	s7 =	sadd.s32 $0xFFFFFFFF, s7;
	[sflag:s1] =	ssyncadd.s32 $0xFFFF2000  }
0x7d: {  	_ =	sfence.sel $0x180000  }
0x7e: {  	[bflag:$0x0] =	sbarrier.arrive $0xFFFF  }
0x7f: {  	_ =	strace $0x90000047  }
0x80: {  	s0 =	stileid.u32;
	[bflag:$0x2] =	sbarrier.arrive $0xFFFF  }
0x81: {  	p0 =	sne.s32 s0, $0x0;
	s0 =	rddreg [dreg:$0x1]  }
0x82: {  	s0 =	sadd.s32 @!p0 $0x100000, s0  }
0x83: {  	[sflag:s0] =	ssyncadd.tile.s32 @!p0 $0x1;
	_ =	shalt  }
.Lfunc_end2:
_tile_overlayer_lowered:
.L_overlay_start_2:
0x84: {  	(tag) =	ssettag $0x2  }
0x85: {  	s0 =	rddreg [dreg:$0x0];
	s2 =	stileid.u32  }
0x86: {  	s1 =	rddreg [dreg:$0x1];
	p0 =	sne.s32 s2, $0x0  }
0x87: {  	s3 =	rddreg [dreg:$0x2];
	[bflag:$0x3] =	sbarrier.arrive $0xFFFF;
	s2 =	simm.s32 @!p0 $0x1C02  }
0x88: {  	[timem:s3], [sflag:s2] =	dma.local @!p0 [hbm:s0], s1  }
0x89: {  	s0 =	simm.s32 @!p0 $0x2  }
0x8a: {  	_ =	swait.ge @!p0 [sflag:s0], s1  }
0x8b: {  	s1 =	ssub.s32 @!p0 $0x0, s1;
	[sflag:s0] =	ssyncset.done @!p0 $0x0  }
0x8c: {  	[sflag:s0] =	ssyncadd.s32 @!p0 s1  }
0x8d: {  	[bflag:$0x3] =	sbarrier.arrive $0xFFFF  }
0x8e: {  	_ =	shalt  }

// kernel: kernel.9.cloned.1.call-start
scs
__scs_entry_jumppad:
0x0: {  	(pc) =	sbr.rel $0x88, $3  }
0x1: {  	(tag) =	ssettag $0x0;
	lr =	simm.s32 $0x1  }
0x2: {  	[smem:$0x3F9E] =	sst lr;
	_ =	strace $0xD0000000  }
0x3: {  	_ = 	snop  }
0x4: {  	_ = 	snop  }
0x5: {  	_ = 	snop  }
0x6: {  	_ = 	snop  }
0x7: {  	_ = 	snop  }
__scs_overlays_trampoline_lowered:
0x8: {  	[smem:$0x3FAD] =	sst s0  }
0x9: {  	[smem:$0x3FAE] =	sst s1  }
0xa: {  	[smem:$0x3FAF] =	sst s2  }
0xb: {  	[smem:$0x3FB0] =	sst s3  }
0xc: {  	[smem:$0x3FB1] =	sst s4  }
0xd: {  	[smem:$0x3FB2] =	sst s5  }
0xe: {  	[smem:$0x3FB3] =	sst s6  }
0xf: {  	[smem:$0x3FB4] =	sst s7  }
0x10: {  	[smem:$0x3FB5] =	sst s8  }
0x11: {  	[smem:$0x3FB6] =	sst s9;
	s0 =	simm.s32 @!p0 $0x0  }
0x12: {  	s1 =	sld [smem:$0x3F9C];
	s0 =	simm.s32 @p0 $0x1  }
0x13: {  	[smem:$0x3FB7] =	sst s0;
	s0 =	simm.s32 @!p1 $0x0  }
0x14: {  	s2 =	sld [smem:$0x3F9B];
	s0 =	simm.s32 @p1 $0x1  }
0x15: {  	[smem:$0x3FB8] =	sst s0;
	s0 =	simm.s32 @!p2 $0x0  }
0x16: {  	s3 =	sld [smem:$0x3FDB];
	s0 =	simm.s32 @p2 $0x1  }
0x17: {  	s4 =	simm.s32 $0x1BF5;
	[smem:$0x3FBA] =	sst s0  }
0x18: {  	s0 =	sld [smem:$0x3F9D];
	_ =	swait.ge [sflag:s4], $0x0  }
0x19: {  	s7 =	sld [smem:$0x3F9E]  }
0x1a: {  	s8 =	sadd.s32 $0xFFFFE003, lr  }
0x1b: {  	s9 =	sadd.s32 $0xFFFFFEF7, lr;
	s5 =	simm.s32 $0xFFFFFFFF;
	p2 =	slt.u32 s8, $0xFFFFF086  }
0x1c: {  	p1 =	slt.u32 s9, $0xF7A;
	s5 =	simm.s32 @!p2 $0x0  }
0x1d: {  	s5 =	simm.s32 @p1 $0x1;
	p0 =	seq.s32 s7, s2  }
0x1e: {  	s7 =	smul.u32 @!p0 $0xF7A, s2;
	p2 =	seq.s32 @!p0 s5, $0x0  }
0x1f: {  	s9 =	smul.u32 $0xF7A, s1;
	s8 =	simm.s32 @!p0 $0x1BF5;
	p2 =	por !p2, p0  }
0x20: {  	[sflag:s8] =	ssyncset.s32 @!p0 $0xFFFFF086;
	s6 =	sadd.s32 @!p0 s3, s7;
	s7 =	simm.s32 @!p0 $0x108  }
0x21: {  	s3 =	sadd.s32 s3, s9;
	s6 =	sadd.s32 @!p0 $0x88, s6;
	s7 =	simm.s32 @p2 $0x1082  }
0x22: {  	[simem:s7], [sflag:s8] =	dma.local @!p0 [hbm:s6], $0xF7A  }
0x23: {  	s9 =	sor.u32 $0xD0000000, s2;
	s6 =	simm.s32 $0x108;
	_ =	swait.ge @!p0 [sflag:s8], $0x0  }
0x24: {  	s3 =	sadd.s32 $0x88, s3;
	s6 =	simm.s32 @!p1 $0x1082;
	[sflag:s4] =	ssyncset.s32 $0xFFFFF086  }
0x25: {  	[simem:s6], [sflag:s4] =	dma.local [hbm:s3], $0xF7A  }
0x26: {  	[smem:$0x3F9E] =	sst s1;
	(tag) =	ssettag s2;
	_ =	strace s9  }
0x27: {  	s1 =	sld [smem:$0x3FAE]  }
0x28: {  	s2 =	sld [smem:$0x3FAF]  }
0x29: {  	s4 =	sld [smem:$0x3FB1]  }
0x2a: {  	p0 =	seq.s32 s5, $0x0;
	s5 =	sld [smem:$0x3FB2]  }
0x2b: {  	s6 =	sld [smem:$0x3FB3]  }
0x2c: {  	s7 =	sld [smem:$0x3FB4]  }
0x2d: {  	s3 =	simm.s32 $0x108;
	s8 =	sld [smem:$0x3FB5]  }
0x2e: {  	s3 =	simm.s32 @!p0 $0x1082;
	s9 =	sld [smem:$0x3FB6]  }
0x2f: {  	lr =	sadd.s32 s0, s3;
	s0 =	sld [smem:$0x3FAD]  }
0x30: {  	s3 =	sld [smem:$0x3FB0]  }
0x31: {  	[smem:$0x3FB9] =	sst s10  }
0x32: {  	s10 =	sld [smem:$0x3FB7];
	_ =	sdelay $0x3  }
0x33: {  	p0 =	seq.s32 s10, $0x1;
	s10 =	sld [smem:$0x3FB9];
	_ =	sdelay $0x3  }
0x34: {  	[smem:$0x3FB9] =	sst s10  }
0x35: {  	s10 =	sld [smem:$0x3FB8];
	_ =	sdelay $0x3  }
0x36: {  	p1 =	seq.s32 s10, $0x1;
	s10 =	sld [smem:$0x3FB9];
	_ =	sdelay $0x3  }
0x37: {  	[smem:$0x3FB9] =	sst s10  }
0x38: {  	s10 =	sld [smem:$0x3FBA]  }
0x39: {  	_ = 	snop;
	(pc) =	sbr.ind lr, $3  }
0x3a: {  	_ = 	snop  }
0x3b: {  	_ = 	snop  }
0x3c: {  	p2 =	seq.s32 s10, $0x1;
	s10 =	sld [smem:$0x3FB9]  }
0x3d: {  	_ =	shalt  }
0x3e: {  	_ =	shalt  }
0x3f: {  	_ =	shalt  }
0x40: {  	_ =	shalt  }
0x41: {  	_ =	shalt  }
0x42: {  	_ =	shalt  }
0x43: {  	_ =	shalt  }
0x44: {  	_ =	shalt  }
0x45: {  	_ =	shalt  }
0x46: {  	_ =	shalt  }
0x47: {  	_ =	shalt  }
0x48: {  	_ =	shalt  }
0x49: {  	_ =	shalt  }
0x4a: {  	_ =	shalt  }
0x4b: {  	_ =	shalt  }
0x4c: {  	_ =	shalt  }
0x4d: {  	_ =	shalt  }
0x4e: {  	_ =	shalt  }
0x4f: {  	_ =	shalt  }
0x50: {  	_ =	shalt  }
0x51: {  	_ =	shalt  }
0x52: {  	_ =	shalt  }
0x53: {  	_ =	shalt  }
0x54: {  	_ =	shalt  }
0x55: {  	_ =	shalt  }
0x56: {  	_ =	shalt  }
0x57: {  	_ =	shalt  }
0x58: {  	_ =	shalt  }
0x59: {  	_ =	shalt  }
0x5a: {  	_ =	shalt  }
0x5b: {  	_ =	shalt  }
0x5c: {  	_ =	shalt  }
0x5d: {  	_ =	shalt  }
0x5e: {  	_ =	shalt  }
0x5f: {  	_ =	shalt  }
0x60: {  	_ =	shalt  }
0x61: {  	_ =	shalt  }
0x62: {  	_ =	shalt  }
0x63: {  	_ =	shalt  }
0x64: {  	_ =	shalt  }
0x65: {  	_ =	shalt  }
0x66: {  	_ =	shalt  }
0x67: {  	_ =	shalt  }
0x68: {  	_ =	shalt  }
0x69: {  	_ =	shalt  }
0x6a: {  	_ =	shalt  }
0x6b: {  	_ =	shalt  }
0x6c: {  	_ =	shalt  }
0x6d: {  	_ =	shalt  }
0x6e: {  	_ =	shalt  }
0x6f: {  	_ =	shalt  }
0x70: {  	_ =	shalt  }
0x71: {  	_ =	shalt  }
0x72: {  	_ =	shalt  }
0x73: {  	_ =	shalt  }
0x74: {  	_ =	shalt  }
0x75: {  	_ =	shalt  }
0x76: {  	_ =	shalt  }
0x77: {  	_ =	shalt  }
0x78: {  	_ =	shalt  }
0x79: {  	_ =	shalt  }
0x7a: {  	_ =	shalt  }
0x7b: {  	_ =	shalt  }
0x7c: {  	_ =	shalt  }
0x7d: {  	_ =	shalt  }
0x7e: {  	_ =	shalt  }
0x7f: {  	_ =	shalt  }
0x80: {  	_ =	shalt  }
0x81: {  	_ =	shalt  }
0x82: {  	_ =	shalt  }
0x83: {  	_ =	shalt  }
0x84: {  	_ =	shalt  }
0x85: {  	_ =	shalt  }
0x86: {  	_ =	shalt  }
0x87: {  	_ =	shalt  }
.Lfunc_end0:
.L_simem_size_0:
called_computation.1_lowered:
.L_overlay_start_0:
0x88: {  	s2 =	sld [smem:$0x3FD9]  }
0x89: {  	s3 =	sld [smem:$0x3FFE];
	_ =	sdelay $0x1  }
0x8a: {  	s1 =	srdreg.scid  }
0x8b: {  	s0 =	sand.u32 $0x1, s1  }
0x8c: {  	s17 =	sshll.u32 s0, $0xA;
	s2 =	sadd.s32 s3, s2  }
0x8d: {  	s2 =	sadd.s32 s2, s17  }
0x8e: {  	[smem:$0x3FC5] =	sst s2  }
0x8f: {  	_ = 	snop  }
0x90: {  	s2 =	sld [smem:$0x3FD0];
	(tm) =	ssettm $0x1  }
0x91: {  	s18 =	sld [smem:$0x3FFB];
	_ =	sdelay $0x3  }
0x92: {  	_ =	strace s18  }
0x93: {  	s3 =	sld [smem:$0x3FFC];
	_ =	sdelay $0x3  }
0x94: {  	_ =	strace s3  }
0x95: {  	s3 =	sld [smem:$0x3FFD];
	_ =	sdelay $0x3  }
0x96: {  	_ =	strace s3  }
0x97: {  	_ =	strace $0x8FFFFFFF  }
0x98: {  	s19 =	sld [smem:$0x3FDB];
	_ =	sdelay $0x1  }
0x99: {  	s4 =	simm.s32 $_scs_section_size  }
0x9a: {  	s5 =	simm.s32 $_size__tile_overlayer_lowered;
	s6 =	simm.s32 $_tile_overlayer_lowered  }
0x9b: {  	s22 =	simm.s32 $0x1BFF;
	s21 =	sshll.u32 s6, $0x1;
	s3 =	sadd.s32 s4, s19  }
0x9c: {  	s7 =	simm.s32 $0x0;
	s20 =	sshll.u32 s5, $0x1;
	s5 =	sadd.s32 s21, s3  }
0x9d: {  	[timem:s7], [sflag:s22] =	dma.local [hbm:s5], s20  }
0x9e: {  	_ =	swait.ge [sflag:s22], s20  }
0x9f: {  	s4 =	ssub.s32 $0x0, s20;
	[sflag:s22] =	ssyncset.done $0x0  }
0xa0: {  	[sflag:s22] =	ssyncadd.s32 s4;
	_ =	sdelay $0x1  }
0xa1: {  	s23 =	simm.s32 $0x1B8B  }
0xa2: {  	_ =	swait.ge [sflag:s23], $0x1  }
0xa3: {  	[sflag:s23] =	ssyncset.done $0x0  }
0xa4: {  	s25 =	simm.s32 $0x1B8E;
	s24 =	sld [smem:$0x3FFE];
	[sflag:s23] =	ssyncadd.s32 $0xFFFFFFFF  }
0xa5: {  	s26 =	simm.s32 $execute0_lowered;
	[smem:$0x3FD2] =	sst s25  }
0xa6: {  	s5 =	sshll.u32 s26, $0x1;
	_ =	strace $0x80000049;
	[dreg:$0x1] =	wrdreg $0xFFFFFFFF  }
0xa7: {  	s28 =	simm.s32 $_size_execute0_lowered;
	s3 =	sadd.s32 s3, s5;
	[dreg:$0x0] =	wrdreg $0x0  }
0xa8: {  	s5 =	sshll.u32 s28, $0x1;
	[dreg:$0x2] =	wrdreg s3  }
0xa9: {  	[dreg:$0x3] =	wrdreg s5  }
0xaa: {  	[dreg:$0x4] =	wrdreg $0xC0  }
0xab: {  	_ =	task [dreg:s7], $0x5FFFF  }
0xac: {  	[dreg:$0x1] =	wrdreg $0xFFFFFFFF  }
0xad: {  	[dreg:$0x0] =	wrdreg $0x60  }
0xae: {  	[dreg:$0x2] =	wrdreg s24  }
0xaf: {  	[dreg:$0x3] =	wrdreg s2  }
0xb0: {  	[dreg:$0x4] =	wrdreg $0x9  }
0xb1: {  	_ =	task.clear_ibuf [dreg:s7], $0x5FFFF;
	_ =	strace $0x90000049  }
0xb2: {  	s29 =	simm.s32 $0x9;
	_ =	strace $0x8000004B  }
0xb3: {  	_ =	swait.ge [sflag:s29], $0x1  }
0xb4: {  	[sflag:s29] =	ssyncadd.s32 $0xFFFFFFFF  }
0xb5: {  	_ =	strace $0x9000004B  }
0xb6: {  	_ =	sfence  }
0xb7: {  	s30 =	sld [smem:$0x0];
	_ =	sdelay $0x2  }
0xb8: {  	s31 =	sshll.u32 s1, $0xD;
	s1 =	sshrl.u32 s1, $0x2  }
0xb9: {  	s3 =	sand.u32 $0x4000, s31;
	s1 =	sadd.s32 s1, s30  }
0xba: {  	s0 =	sor.u32 s3, s0;
	s1 =	sshll.u32 s1, $0x11  }
0xbb: {  	s0 =	sor.u32 s1, s0  }
0xbc: {  	s0 =	sadd.s32 $0x8F2B, s0  }
0xbd: {  	[sflag:s0] =	ssyncadd.remote.s32 $0x1  }
0xbe: {  	_ =	sfence.sel $0xFFFF  }
0xbf: {  	[dreg:$0x0] =	wrdreg $0xFFFFFFFF;
	(pc) =	sbr.abs _section_cstart, $3  }
0xc0: {  	[dreg:$0x1] =	wrdreg $0xFFFFFFFF  }
0xc1: {  	_ =	task.clear_ibuf [dreg:s7], $0x2FFFF;
	_ =	strace $0x9FFFFFFF  }
0xc2: {  	(tm) =	ssettm $0x7FFFFFFF  }
0xc3: {  	_ =	shalt  }
tec
execute0_lowered:
.L_overlay_start_1:
0x0: {  	(tag) =	ssettag $0x1  }
0x1: {  	s0 =	rddreg [dreg:$0x0]  }
0x2: {  	s5 =	rddreg [dreg:$0x1];
	s3 =	srdreg.scid  }
0x3: {  	s2 =	simm.s32 $0x0;
	s1 =	stileid.u32;
	s26 =	simm.s32 $0x880  }
0x4: {  	s10 =	simm.s32 $0x1880;
	s11 =	simm.s32 $0x2080;
	s12 =	simm.s32 $0x2880  }
0x5: {  	s13 =	simm.s32 $0x3080;
	s14 =	simm.s32 $0x3880;
	s15 =	simm.s32 $0x4080  }
0x6: {  	s16 =	simm.s32 $0x4880;
	s17 =	simm.s32 $0x5080;
	s18 =	simm.s32 $0x5880  }
0x7: {  	s19 =	simm.s32 $0x6080;
	s20 =	simm.s32 $0x6880;
	s21 =	simm.s32 $0x7080  }
0x8: {  	s22 =	simm.s32 $0x7880;
	s28 =	simm.s32 $0xA080;
	s29 =	simm.s32 $0xA880  }
0x9: {  	s30 =	simm.s32 $0xB080;
	s31 =	simm.s32 $0xB880;
	s3 =	sand.u32 $0x1, s3  }
0xa: {  	[smem:$0x7FF] =	sst s2;
	s4 =	sshll.u32 s1, $0x4;
	s6 =	sshll.u32 s3, $0x3  }
0xb: {  	_ =	strace $0x8000004A;
	s23 =	ssub.s32 $0x2, s3;
	s3 =	sadd.s32 $0x1400, s0  }
0xc: {  	[dreg:$0x5] =	wrdreg s26;
	s26 =	simm.s32 $0x9880;
	s4 =	sor.u32 s6, s4  }
0xd: {  	s8 =	sshrl.u32 s23, $0x1;
	s7 =	sadd.s32 s4, s0;
	s9 =	smul.u32 $0x300, s4  }
0xe: {  	s6 =	ssub.s32 s23, s8;
	s4 =	sadd.s32 $0x1500, s0;
	s8 =	simm.s32 $0x80  }
0xf: {  	s23 =	simm.s32 $0x8080;
	s24 =	sadd.s32 $0x39400, s7;
	s6 =	smax.u32 s6, $0x1  }
0x10: {  	v2 =	vlaneseq.u32;
	s7 =	simm.s32 $0x2;
	[dreg:$0x3] =	wrdreg s24;
	s25 =	sadd.s32 s5, s9  }
0x11: {  	vm0 =	vmmov $0xffff;
	v1 =	vshrl.u32 v2, $0x3;
	s5 =	sadd.s32 $0x1600, s0;
	s9 =	simm.s32 $0x1080;
	s24 =	simm.s32 $0x8880  }
0x12: {  	v0 =	vand.u32 $0x7, v2;
	v2 =	vor.u32 $0x8, v2;
	v1 =	vmul.u32 $0x8, v1;
	s0 =	simm.s32 $0x1;
	[dreg:$0x4] =	wrdreg s25;
	s25 =	simm.s32 $0x9080  }
.LBB2_1:
0x13: {  	s1 =	rddreg [dreg:$0x3]  }
0x14: {  	[tilespmem:s2], [sflag:$0x2] =	stream.linear.gather [hbm4b:s1+s2], $0x40, $0x38;
	[tilespmem:$0xC080] =	vst v63  }
0x15: {  	_ =	swait.ge [sflag:s7], $0x40  }
0x16: {  	[sflag:s7] =	ssyncset.done $0x0  }
0x17: {  	[sflag:s7] =	ssyncadd.s32 $0xFFFFFFC0  }
0x18: {  	v3 =	vld [tilespmem:$0x0];
	_ =	sdelay $0x4  }
0x19: {  	v4 =	vshrl.u32 v3, $0x3  }
0x1a: {  	v4 =	vmul.u32 $0x30, v4  }
0x1b: {  	v3 =	vand.u32 $0x7, v3  }
0x1c: {  	v3 =	vor.u32 v3, v4  }
0x1d: {  	v4 =	vperm.xlane v3, v0;
	_ =	sdelay $0x1  }
0x1e: {  	v4 =	vadd.s32 v1, v4;
	_ =	sdelay $0x3  }
0x1f: {  	v3 =	vperm.xlane v3, v2  }
0x20: {  	[tilespmem:s8], [sflag:$0x1] =	stream.indirect_vreg.gather [hbm4b:s3+s2], $0x80, v4, vm0, $0xb8;
	[tilespmem:$0xC080] =	vst v63  }
0x21: {  	s1 =	rddreg [dreg:$0x5];
	v3 =	vadd.s32 v1, v3  }
0x22: {  	[tilespmem:s1], [sflag:$0x1] =	stream.indirect_vreg.gather [hbm4b:s4+s2], $0x80, v4, vm0, $0xb8;
	[tilespmem:$0xC080] =	vst v63  }
0x23: {  	_ = 	snop  }
0x24: {  	[tilespmem:s9], [sflag:$0x1] =	stream.indirect_vreg.gather [hbm4b:s5+s2], $0x80, v4, vm0, $0xb8;
	[tilespmem:$0xC080] =	vst v63  }
0x25: {  	_ = 	snop  }
0x26: {  	[tilespmem:s10], [sflag:$0x1] =	stream.indirect_vreg.gather [hbm4b:s3+s2], $0x80, v3, vm0, $0xb8;
	[tilespmem:$0xC080] =	vst v63  }
0x27: {  	_ = 	snop  }
0x28: {  	[tilespmem:s11], [sflag:$0x1] =	stream.indirect_vreg.gather [hbm4b:s4+s2], $0x80, v3, vm0, $0xb8;
	[tilespmem:$0xC080] =	vst v63  }
0x29: {  	_ = 	snop  }
0x2a: {  	[tilespmem:s12], [sflag:$0x1] =	stream.indirect_vreg.gather [hbm4b:s5+s2], $0x80, v3, vm0, $0xb8;
	[tilespmem:$0xC080] =	vst v63  }
0x2b: {  	v3 =	vld [tilespmem:$0x10];
	_ =	sdelay $0x4  }
0x2c: {  	v61 =	vshrl.u32 v3, $0x3  }
0x2d: {  	v4 =	vmul.u32 $0x30, v61  }
0x2e: {  	v3 =	vand.u32 $0x7, v3  }
0x2f: {  	v3 =	vor.u32 v3, v4  }
0x30: {  	v4 =	vperm.xlane v3, v0;
	_ =	sdelay $0x1  }
0x31: {  	v4 =	vadd.s32 v1, v4;
	_ =	sdelay $0x3  }
0x32: {  	v3 =	vperm.xlane v3, v2  }
0x33: {  	[tilespmem:s13], [sflag:$0x1] =	stream.indirect_vreg.gather [hbm4b:s3+s2], $0x80, v4, vm0, $0xb8;
	[tilespmem:$0xC080] =	vst v63  }
0x34: {  	v3 =	vadd.s32 v1, v3  }
0x35: {  	[tilespmem:s14], [sflag:$0x1] =	stream.indirect_vreg.gather [hbm4b:s4+s2], $0x80, v4, vm0, $0xb8;
	[tilespmem:$0xC080] =	vst v63  }
0x36: {  	_ = 	snop  }
0x37: {  	[tilespmem:s15], [sflag:$0x1] =	stream.indirect_vreg.gather [hbm4b:s5+s2], $0x80, v4, vm0, $0xb8;
	[tilespmem:$0xC080] =	vst v63  }
0x38: {  	_ = 	snop  }
0x39: {  	[tilespmem:s16], [sflag:$0x1] =	stream.indirect_vreg.gather [hbm4b:s3+s2], $0x80, v3, vm0, $0xb8;
	[tilespmem:$0xC080] =	vst v63  }
0x3a: {  	_ = 	snop  }
0x3b: {  	[tilespmem:s17], [sflag:$0x1] =	stream.indirect_vreg.gather [hbm4b:s4+s2], $0x80, v3, vm0, $0xb8;
	[tilespmem:$0xC080] =	vst v63  }
0x3c: {  	_ = 	snop  }
0x3d: {  	[tilespmem:s18], [sflag:$0x1] =	stream.indirect_vreg.gather [hbm4b:s5+s2], $0x80, v3, vm0, $0xb8;
	[tilespmem:$0xC080] =	vst v63  }
0x3e: {  	v3 =	vld [tilespmem:$0x20];
	_ =	sdelay $0x4  }
0x3f: {  	v62 =	vshrl.u32 v3, $0x3  }
0x40: {  	v4 =	vmul.u32 $0x30, v62  }
0x41: {  	v3 =	vand.u32 $0x7, v3  }
0x42: {  	v3 =	vor.u32 v3, v4  }
0x43: {  	v4 =	vperm.xlane v3, v0;
	_ =	sdelay $0x1  }
0x44: {  	v4 =	vadd.s32 v1, v4;
	_ =	sdelay $0x3  }
0x45: {  	v3 =	vperm.xlane v3, v2  }
0x46: {  	[tilespmem:s19], [sflag:$0x1] =	stream.indirect_vreg.gather [hbm4b:s3+s2], $0x80, v4, vm0, $0xb8;
	[tilespmem:$0xC080] =	vst v63  }
0x47: {  	v3 =	vadd.s32 v1, v3  }
0x48: {  	[tilespmem:s20], [sflag:$0x1] =	stream.indirect_vreg.gather [hbm4b:s4+s2], $0x80, v4, vm0, $0xb8;
	[tilespmem:$0xC080] =	vst v63  }
0x49: {  	_ = 	snop  }
0x4a: {  	[tilespmem:s21], [sflag:$0x1] =	stream.indirect_vreg.gather [hbm4b:s5+s2], $0x80, v4, vm0, $0xb8;
	[tilespmem:$0xC080] =	vst v63  }
0x4b: {  	_ = 	snop  }
0x4c: {  	[tilespmem:s22], [sflag:$0x1] =	stream.indirect_vreg.gather [hbm4b:s3+s2], $0x80, v3, vm0, $0xb8;
	[tilespmem:$0xC080] =	vst v63  }
0x4d: {  	_ = 	snop  }
0x4e: {  	[tilespmem:s23], [sflag:$0x1] =	stream.indirect_vreg.gather [hbm4b:s4+s2], $0x80, v3, vm0, $0xb8;
	[tilespmem:$0xC080] =	vst v63  }
0x4f: {  	_ = 	snop  }
0x50: {  	[tilespmem:s24], [sflag:$0x1] =	stream.indirect_vreg.gather [hbm4b:s5+s2], $0x80, v3, vm0, $0xb8;
	[tilespmem:$0xC080] =	vst v63  }
0x51: {  	v3 =	vld [tilespmem:$0x30];
	_ =	sdelay $0x4  }
0x52: {  	v63 =	vshrl.u32 v3, $0x3  }
0x53: {  	v4 =	vmul.u32 $0x30, v63  }
0x54: {  	v3 =	vand.u32 $0x7, v3  }
0x55: {  	v3 =	vor.u32 v3, v4  }
0x56: {  	v4 =	vperm.xlane v3, v0;
	_ =	sdelay $0x1  }
0x57: {  	v4 =	vadd.s32 v1, v4;
	_ =	sdelay $0x3  }
0x58: {  	v3 =	vperm.xlane v3, v2  }
0x59: {  	[tilespmem:s25], [sflag:$0x1] =	stream.indirect_vreg.gather [hbm4b:s3+s2], $0x80, v4, vm0, $0xb8;
	[tilespmem:$0xC080] =	vst v63  }
0x5a: {  	v3 =	vadd.s32 v1, v3  }
0x5b: {  	[tilespmem:s26], [sflag:$0x1] =	stream.indirect_vreg.gather [hbm4b:s4+s2], $0x80, v4, vm0, $0xb8;
	[tilespmem:$0xC080] =	vst v63  }
0x5c: {  	_ = 	snop  }
0x5d: {  	[tilespmem:s28], [sflag:$0x1] =	stream.indirect_vreg.gather [hbm4b:s5+s2], $0x80, v4, vm0, $0xb8;
	[tilespmem:$0xC080] =	vst v63  }
0x5e: {  	_ = 	snop  }
0x5f: {  	[tilespmem:s29], [sflag:$0x1] =	stream.indirect_vreg.gather [hbm4b:s3+s2], $0x80, v3, vm0, $0xb8;
	[tilespmem:$0xC080] =	vst v63  }
0x60: {  	_ = 	snop  }
0x61: {  	[tilespmem:s30], [sflag:$0x1] =	stream.indirect_vreg.gather [hbm4b:s4+s2], $0x80, v3, vm0, $0xb8;
	[tilespmem:$0xC080] =	vst v63  }
0x62: {  	_ = 	snop  }
0x63: {  	[tilespmem:s31], [sflag:$0x1] =	stream.indirect_vreg.gather [hbm4b:s5+s2], $0x80, v3, vm0, $0xb8;
	[tilespmem:$0xC080] =	vst v63  }
0x64: {  	_ =	swait.ge [sflag:s0], $0xC000  }
0x65: {  	p0 =	sne.s32 s6, $0x1;
	[sflag:s0] =	ssyncset.done $0x0  }
.Ltmp0:
0x66: {  	s1 =	rddreg [dreg:$0x4];
	[sflag:s0] =	ssyncadd.s32 $0xFFFF4000;
	(pc) =	sbr.rel @p0 .LBB2_1-.Ltmp0, $4  }
0x67: {  	[hbm4b:s1+s2] =	stream.linear.scatter [tilespmem:s8], [sflag:$0x2], $0xC000, $0x38;
	[tilespmem:$0xC080] =	vst v63  }
0x68: {  	_ =	swait.ge [sflag:s7], $0xC000  }
0x69: {  	[sflag:s7] =	ssyncset.done $0x0  }
0x6a: {  	s6 =	sadd.s32 $0xFFFFFFFF, s6;
	[sflag:s7] =	ssyncadd.s32 $0xFFFF4000  }
0x6b: {  	_ =	sfence.sel $0x180000  }
0x6c: {  	[bflag:$0x0] =	sbarrier.arrive $0xFFFF  }
0x6d: {  	_ =	strace $0x9000004A  }
0x6e: {  	s0 =	stileid.u32;
	[bflag:$0x2] =	sbarrier.arrive $0xFFFF  }
0x6f: {  	p0 =	sne.s32 s0, $0x0;
	s0 =	rddreg [dreg:$0x2]  }
0x70: {  	s0 =	sadd.s32 @!p0 $0x100000, s0  }
0x71: {  	[sflag:s0] =	ssyncadd.tile.s32 @!p0 $0x1;
	_ =	shalt  }
.Lfunc_end2:
_tile_overlayer_lowered:
.L_overlay_start_2:
0x72: {  	(tag) =	ssettag $0x2  }
0x73: {  	s0 =	rddreg [dreg:$0x0];
	s2 =	stileid.u32  }
0x74: {  	s1 =	rddreg [dreg:$0x1];
	p0 =	sne.s32 s2, $0x0  }
0x75: {  	s3 =	rddreg [dreg:$0x2];
	[bflag:$0x3] =	sbarrier.arrive $0xFFFF;
	s2 =	simm.s32 @!p0 $0x1C02  }
0x76: {  	[timem:s3], [sflag:s2] =	dma.local @!p0 [hbm:s0], s1  }
0x77: {  	s0 =	simm.s32 @!p0 $0x2  }
0x78: {  	_ =	swait.ge @!p0 [sflag:s0], s1  }
0x79: {  	s1 =	ssub.s32 @!p0 $0x0, s1;
	[sflag:s0] =	ssyncset.done @!p0 $0x0  }
0x7a: {  	[sflag:s0] =	ssyncadd.s32 @!p0 s1  }
0x7b: {  	[bflag:$0x3] =	sbarrier.arrive $0xFFFF  }
0x7c: {  	_ =	shalt  }

</sc_bundles>
